<compile_context>
chip_gen: v7x
topology: tpu7x:2x2x1
jax: 0.10.2.dev20260603
libtpu: 0.0.44.dev20260713+nightly
codegen_flags: <defaults>
</compile_context>

<pallas_src>
import functools

import jax
import jax.numpy as jnp
from jax import lax
from jax.experimental import pallas as pl
from jax.experimental.pallas import tpu as pltpu
from jax.experimental.pallas import tpu_sc as plsc

_NC = 2
_NS = 16
_NW = _NC * _NS

_N_TOK = 25600
_TPW = _N_TOK // _NW
_WCHUNK = 40
_NWCHUNK = _TPW // _WCHUNK
_CCHUNK = 80
_NCCHUNK = _TPW // _CCHUNK
_WDIM = 300
_CDIM = 64
_VOCAB_C = 1376


def _sc_gather_body(x_hbm, y_hbm, word_hbm, tail_hbm, char_hbm,
                    out_r0, out_r1, out_r2, out_csum,
                    idx_v, wbuf0, wbuf1, wbuf2, cvm, ybuf, cout,
                    wsem, csem):
    wid = lax.axis_index("s") * _NC + lax.axis_index("c")
    base = pl.multiple_of(wid * _TPW, _TPW)

    pltpu.sync_copy(x_hbm.at[pl.ds(base, _TPW)], idx_v)
    pltpu.sync_copy(char_hbm, cvm)

    def wbody(c, carry):
        off = pl.multiple_of(c * _WCHUNK, _WCHUNK)
        idxs = idx_v.at[pl.ds(off, _WCHUNK)]
        cp0 = pltpu.async_copy(word_hbm.at[idxs, pl.ds(0, 128)], wbuf0, wsem)
        cp1 = pltpu.async_copy(word_hbm.at[idxs, pl.ds(128, 128)], wbuf1, wsem)
        cp2 = pltpu.async_copy(tail_hbm.at[idxs], wbuf2, wsem)
        cp0.wait()
        cp1.wait()
        cp2.wait()
        pltpu.sync_copy(wbuf0, out_r0.at[pl.ds(base + off, _WCHUNK)])
        pltpu.sync_copy(wbuf1, out_r1.at[pl.ds(base + off, _WCHUNK)])
        pltpu.sync_copy(wbuf2, out_r2.at[pl.ds(base + off, _WCHUNK)])
        return carry

    lax.fori_loop(0, _NWCHUNK, wbody, 0, unroll=False)

    def cobody(k, carry):
        yoff = pl.multiple_of((base + k * _CCHUNK) * 16, 16 * _CCHUNK)
        pltpu.async_copy(y_hbm.at[pl.ds(yoff, _CCHUNK * 16)], ybuf,
                         csem).wait()

        def tbody(t, carry3):
            yv = ybuf[pl.ds(t * 16, 16)]
            accs = [jnp.zeros((16,), jnp.float32) for _ in range(4)]
            for c in range(16):
                addr = pl.multiple_of(yv[c] * _CDIM, 16)
                for jb in range(4):
                    accs[jb] = accs[jb] + cvm[pl.ds(addr + jb * 16, 16)]
            for jb in range(4):
                cout[t, pl.ds(jb * 16, 16)] = accs[jb]
            return carry3

        lax.fori_loop(0, _CCHUNK, tbody, 0, unroll=False)
        pltpu.sync_copy(cout, out_csum.at[pl.ds(base + k * _CCHUNK, _CCHUNK)])
        return carry

    lax.fori_loop(0, _NCCHUNK, cobody, 0, unroll=False)


@functools.partial(jax.jit, static_argnums=())
def _sc_gather(x_flat, y_flat, word_table, tail_table, char_table):
    mesh = plsc.VectorSubcoreMesh(core_axis_name="c", subcore_axis_name="s")
    f = pl.kernel(
        _sc_gather_body,
        compiler_params=pltpu.CompilerParams(needs_layout_passes=False),
        out_type=(
            jax.ShapeDtypeStruct((_N_TOK, 128), jnp.float32),
            jax.ShapeDtypeStruct((_N_TOK, 128), jnp.float32),
            jax.ShapeDtypeStruct((_N_TOK, 128), jnp.float32),
            jax.ShapeDtypeStruct((_N_TOK, _CDIM), jnp.float32),
        ),
        mesh=mesh,
        scratch_types=[
            pltpu.VMEM((_TPW,), jnp.int32),
            pltpu.VMEM((_WCHUNK, 128), jnp.float32),
            pltpu.VMEM((_WCHUNK, 128), jnp.float32),
            pltpu.VMEM((_WCHUNK, 128), jnp.float32),
            pltpu.VMEM((_VOCAB_C * _CDIM,), jnp.float32),
            pltpu.VMEM((_CCHUNK * 16,), jnp.int32),
            pltpu.VMEM((_CCHUNK, _CDIM), jnp.float32),
            pltpu.SemaphoreType.DMA,
            pltpu.SemaphoreType.DMA,
        ],
    )
    return f(x_flat, y_flat, word_table, tail_table, char_table)


_BLK = 1600
_NBLK = _N_TOK // _BLK


def _dense_body(r0_ref, r1_ref, r2_ref, cs_ref, wp0_ref, wp1_ref, wp2_ref,
                wcp_ref,
                wt0_ref, bt0_ref, wg0_ref, bg0_ref,
                wt1_ref, bt1_ref, wg1_ref, bg1_ref, out_ref):
    emb = (jnp.dot(r0_ref[...], wp0_ref[...],
                   preferred_element_type=jnp.float32)
           + jnp.dot(r1_ref[...], wp1_ref[...],
                     preferred_element_type=jnp.float32)
           + jnp.dot(r2_ref[...], wp2_ref[...],
                     preferred_element_type=jnp.float32))
    ch = jnp.dot(cs_ref[...], wcp_ref[...],
                 preferred_element_type=jnp.float32)
    h = jnp.concatenate([ch, emb], axis=1)
    for wt, bt, wg, bg in ((wt0_ref, bt0_ref, wg0_ref, bg0_ref),
                           (wt1_ref, bt1_ref, wg1_ref, bg1_ref)):
        g = jax.nn.sigmoid(
            jnp.dot(h, wg[...], preferred_element_type=jnp.float32) + bg[...])
        t = jnp.maximum(
            jnp.dot(h, wt[...], preferred_element_type=jnp.float32) + bt[...],
            0.0)
        h = g * t + (1.0 - g) * h
    out_ref[...] = h


def _dense(r0, r1, r2, csums, W_proj, wcp_scaled,
           Wt0, bt0, Wg0, bg0, Wt1, bt1, Wg1, bg1):
    full = lambda shape: pl.BlockSpec(shape, lambda i: (0, 0))
    return pl.pallas_call(
        _dense_body,
        grid=(_NBLK,),
        in_specs=[
            pl.BlockSpec((_BLK, 128), lambda i: (i, 0)),
            pl.BlockSpec((_BLK, 128), lambda i: (i, 0)),
            pl.BlockSpec((_BLK, 128), lambda i: (i, 0)),
            pl.BlockSpec((_BLK, _CDIM), lambda i: (i, 0)),
            full((128, 128)),
            full((128, 128)),
            full((128, 128)),
            full((_CDIM, 128)),
            full((256, 256)), full((1, 256)),
            full((256, 256)), full((1, 256)),
            full((256, 256)), full((1, 256)),
            full((256, 256)), full((1, 256)),
        ],
        out_specs=pl.BlockSpec((_BLK, 256), lambda i: (i, 0)),
        out_shape=jax.ShapeDtypeStruct((_N_TOK, 256), jnp.float32),
    )(r0, r1, r2, csums, W_proj[0:128], W_proj[128:256],
      jnp.concatenate([W_proj[256:300], jnp.zeros((84, 128), jnp.float32)],
                      axis=0),
      wcp_scaled,
      Wt0, bt0.reshape(1, 256), Wg0, bg0.reshape(1, 256),
      Wt1, bt1.reshape(1, 256), Wg1, bg1.reshape(1, 256))


def kernel(x, y, word_table, char_table, W_proj, W_char_proj,
           Wt0, bt0, Wg0, bg0, Wt1, bt1, Wg1, bg1):
    B, L = x.shape
    x_flat = x.reshape(B * L)
    y_flat = y.reshape(B * L * 16)
    tail_table = jnp.pad(word_table[:, 256:300], ((0, 0), (0, 84)))
    r0, r1, r2, csums = _sc_gather(x_flat, y_flat, word_table, tail_table,
                                   char_table.reshape(_VOCAB_C * _CDIM))
    wcp_scaled = W_char_proj * (1.0 / 16.0)
    h = _dense(r0, r1, r2, csums, W_proj, wcp_scaled,
               Wt0, bt0, Wg0, bg0, Wt1, bt1, Wg1, bg1)
    return h.reshape(B, L, 256)

# --- scband reference (transcript-rebuilt; emitter-appended) ---
"""Pipeline reference for scband-embedding-89120571392360 (READ-ONLY COPY).

The authoritative reference and input builder live on the scoring server;
editing this copy changes nothing except your own understanding.
"""

import jax, jax.numpy as jnp
import numpy as np


def setup_inputs(seed: int = 0) -> dict:
    key = jax.random.key(seed)
    ks = jax.random.split(key, 16)
    x = jax.random.randint(ks[0], (64, 400), 0, 100000, dtype=jnp.int64) if jax.config.jax_enable_x64 else jax.random.randint(ks[0], (64, 400), 0, 100000).astype(jnp.int32)
    y = jax.random.randint(ks[1], (64, 400, 16), 0, 1376).astype(jnp.int32)
    x = x.astype(jnp.int32)
    word_table = jax.random.normal(ks[2], (100000, 300), dtype=jnp.float32) * 0.02
    char_table = jax.random.normal(ks[3], (1376, 64), dtype=jnp.float32) * 0.02
    W_proj = jax.random.normal(ks[4], (300, 128), dtype=jnp.float32) * 0.05
    W_char_proj = jax.random.normal(ks[5], (64, 128), dtype=jnp.float32) * 0.05
    Wt0 = jax.random.normal(ks[6], (256, 256), dtype=jnp.float32) * 0.05
    bt0 = jnp.zeros((256,), dtype=jnp.float32)
    Wg0 = jax.random.normal(ks[7], (256, 256), dtype=jnp.float32) * 0.05
    bg0 = jnp.zeros((256,), dtype=jnp.float32)
    Wt1 = jax.random.normal(ks[8], (256, 256), dtype=jnp.float32) * 0.05
    bt1 = jnp.zeros((256,), dtype=jnp.float32)
    Wg1 = jax.random.normal(ks[9], (256, 256), dtype=jnp.float32) * 0.05
    bg1 = jnp.zeros((256,), dtype=jnp.float32)
    return {"x": x, "y": y, "word_table": word_table, "char_table": char_table,
            "W_proj": W_proj, "W_char_proj": W_char_proj,
            "Wt0": Wt0, "bt0": bt0, "Wg0": Wg0, "bg0": bg0,
            "Wt1": Wt1, "bt1": bt1, "Wg1": Wg1, "bg1": bg1}


def reference(x, y, word_table, char_table, W_proj, W_char_proj,
              Wt0, bt0, Wg0, bg0, Wt1, bt1, Wg1, bg1):
    # word embedding lookup + projection (dropout is identity in eval mode)
    emb = jnp.take(word_table, x, axis=0)              # [B, L, 300]
    emb = emb @ W_proj                                 # [B, L, 128]
    # char embedding lookup, mean over char positions, projection
    char_emb = jnp.take(char_table, y, axis=0)         # [B, L, C, 64]
    char_emb = jnp.mean(char_emb, axis=-2)             # [B, L, 64]
    char_emb = char_emb @ W_char_proj                  # [B, L, 128]
    h = jnp.concatenate([char_emb, emb], axis=2)       # [B, L, 256]
    # 2-layer highway encoder
    for Wt, bt, Wg, bg in ((Wt0, bt0, Wg0, bg0), (Wt1, bt1, Wg1, bg1)):
        g = jax.nn.sigmoid(h @ Wg + bg)
        t = jax.nn.relu(h @ Wt + bt)
        h = g * t + (1.0 - g) * h
    return h

if __name__ == "__main__":
    import jax
    _d = setup_inputs()
    print(jax.jit(kernel)(*tuple(_d.values())))

</pallas_src>

<mosaic_0001>
#map = affine_map<(d0, d1) -> (0)>
#map1 = affine_map<(d0, d1) -> (0, 0)>
module attributes {stable_mosaic.version = 14 : i64} {
  func.func @_sc_gather_body(%arg0: i32, %arg1: i32, %arg2: memref<25600xi32, #tpu.memory_space<hbm>>, %arg3: memref<409600xi32, #tpu.memory_space<hbm>>, %arg4: memref<100000x300xf32, #tpu.memory_space<hbm>>, %arg5: memref<100000x128xf32, #tpu.memory_space<hbm>>, %arg6: memref<88064xf32, #tpu.memory_space<hbm>>, %arg7: memref<25600x128xf32, #tpu.memory_space<hbm>>, %arg8: memref<25600x128xf32, #tpu.memory_space<hbm>>, %arg9: memref<25600x128xf32, #tpu.memory_space<hbm>>, %arg10: memref<25600x64xf32, #tpu.memory_space<hbm>>, %arg11: memref<800xi32, #tpu.memory_space<vmem>>, %arg12: memref<40x128xf32, #tpu.memory_space<vmem>>, %arg13: memref<40x128xf32, #tpu.memory_space<vmem>>, %arg14: memref<40x128xf32, #tpu.memory_space<vmem>>, %arg15: memref<88064xf32, #tpu.memory_space<vmem>>, %arg16: memref<1280xi32, #tpu.memory_space<vmem>>, %arg17: memref<80x64xf32, #tpu.memory_space<vmem>>, %arg18: memref<!tpu.dma_semaphore, #tpu.memory_space<semaphore_mem>>, %arg19: memref<!tpu.dma_semaphore, #tpu.memory_space<semaphore_mem>>) attributes {dimension_semantics = [#tpu.dimension_semantics<core_parallel>, #tpu.dimension_semantics<subcore_parallel>], iteration_bounds = array<i64: 2, 16>, scalar_prefetch = 0 : i64, scratch_operands = 9 : i64, tpu.core_type = #tpu.core_type<sc_vector_subcore>, window_params = [{transform_indices = #map}, {transform_indices = #map}, {transform_indices = #map1}, {transform_indices = #map1}, {transform_indices = #map}, {transform_indices = #map1}, {transform_indices = #map1}, {transform_indices = #map1}, {transform_indices = #map1}]} {
    %mul3A = arith.constant 2 : i32
    %mul3A_0 = arith.muli %arg1, %mul3A : i32
    %add3A = arith.addi %mul3A_0, %arg0 : i32
    %mul3A_1 = arith.constant 800 : i32
    %mul3A_2 = arith.muli %add3A, %mul3A_1 : i32
    %multiple_of3A = tpu.assume_multiple %mul3A_2, 800 : i32
    "tpu.region"() ({
      %run_scoped3A = tpu.sem_alloc : memref<!tpu.dma_semaphore, #tpu.memory_space<semaphore_mem>>
      %dma_start3A = tpu.memref_slice %arg2[%multiple_of3A] : memref<25600xi32, #tpu.memory_space<hbm>> -> memref<800xi32, #tpu.memory_space<hbm>>
      %dma_start3A_14 = tpu.memref_slice %arg2[%multiple_of3A] : memref<25600xi32, #tpu.memory_space<hbm>> -> memref<800xi32, #tpu.memory_space<hbm>>
      tpu.enqueue_dma source(%dma_start3A_14 : memref<800xi32, #tpu.memory_space<hbm>>) target(%arg11 : memref<800xi32, #tpu.memory_space<vmem>>) target_semaphore(%run_scoped3A : memref<!tpu.dma_semaphore, #tpu.memory_space<semaphore_mem>>)
      %dma_wait3A = tpu.memref_slice %arg2[%multiple_of3A] : memref<25600xi32, #tpu.memory_space<hbm>> -> memref<800xi32, #tpu.memory_space<hbm>>
      %dma_wait3A_15 = tpu.memref_slice %arg2[%multiple_of3A] : memref<25600xi32, #tpu.memory_space<hbm>> -> memref<800xi32, #tpu.memory_space<hbm>>
      tpu.wait_dma2 semaphore(%run_scoped3A : memref<!tpu.dma_semaphore, #tpu.memory_space<semaphore_mem>>) src(%dma_wait3A_15 : memref<800xi32, #tpu.memory_space<hbm>>) dst(%arg11 : memref<800xi32, #tpu.memory_space<vmem>>)
      tpu.yield
    }) : () -> ()
    "tpu.region"() ({
      %run_scoped3A = tpu.sem_alloc : memref<!tpu.dma_semaphore, #tpu.memory_space<semaphore_mem>>
      tpu.enqueue_dma source(%arg6 : memref<88064xf32, #tpu.memory_space<hbm>>) target(%arg15 : memref<88064xf32, #tpu.memory_space<vmem>>) target_semaphore(%run_scoped3A : memref<!tpu.dma_semaphore, #tpu.memory_space<semaphore_mem>>)
      tpu.wait_dma2 semaphore(%run_scoped3A : memref<!tpu.dma_semaphore, #tpu.memory_space<semaphore_mem>>) src(%arg6 : memref<88064xf32, #tpu.memory_space<hbm>>) dst(%arg15 : memref<88064xf32, #tpu.memory_space<vmem>>)
      tpu.yield
    }) : () -> ()
    %scan3A = arith.constant 0 : i32
    %scan3A_3 = arith.constant 0 : i32
    %scan3A_4 = arith.constant 20 : i32
    %scan3A_5 = arith.addi %scan3A_3, %scan3A_4 : i32
    %scan3A_6 = arith.constant 1 : i32
    scf.for %scan3A_14 = %scan3A_3 to %scan3A_5 step %scan3A_6  : i32 {
      %mul3A_15 = arith.constant 40 : i32
      %mul3A_16 = arith.muli %scan3A_14, %mul3A_15 : i32
      %multiple_of3A_17 = tpu.assume_multiple %mul3A_16, 40 : i32
      %dma_start3A = tpu.memref_slice %arg11[%multiple_of3A_17] : memref<800xi32, #tpu.memory_space<vmem>> -> memref<40xi32, #tpu.memory_space<vmem>>
      %dma_start3A_18 = arith.constant 0 : i32
      %dma_start3A_19 = arith.constant 0 : i32
      %dma_start3A_20 = tpu.memref_slice %arg4[%dma_start3A_18, %dma_start3A_19] : memref<100000x300xf32, #tpu.memory_space<hbm>> -> memref<100000x128xf32, #tpu.memory_space<hbm>>
      tpu.enqueue_indirect_dma source(%dma_start3A_20 : memref<100000x128xf32, #tpu.memory_space<hbm>>) target(%arg12 : memref<40x128xf32, #tpu.memory_space<vmem>>) offsets(%dma_start3A : memref<40xi32, #tpu.memory_space<vmem>>) semaphore(%arg18 : memref<!tpu.dma_semaphore, #tpu.memory_space<semaphore_mem>>)
      %dma_start3A_21 = tpu.memref_slice %arg11[%multiple_of3A_17] : memref<800xi32, #tpu.memory_space<vmem>> -> memref<40xi32, #tpu.memory_space<vmem>>
      %dma_start3A_22 = arith.constant 0 : i32
      %dma_start3A_23 = arith.constant 128 : i32
      %dma_start3A_24 = tpu.memref_slice %arg4[%dma_start3A_22, %dma_start3A_23] : memref<100000x300xf32, #tpu.memory_space<hbm>> -> memref<100000x128xf32, #tpu.memory_space<hbm>>
      tpu.enqueue_indirect_dma source(%dma_start3A_24 : memref<100000x128xf32, #tpu.memory_space<hbm>>) target(%arg13 : memref<40x128xf32, #tpu.memory_space<vmem>>) offsets(%dma_start3A_21 : memref<40xi32, #tpu.memory_space<vmem>>) semaphore(%arg18 : memref<!tpu.dma_semaphore, #tpu.memory_space<semaphore_mem>>)
      %dma_start3A_25 = tpu.memref_slice %arg11[%multiple_of3A_17] : memref<800xi32, #tpu.memory_space<vmem>> -> memref<40xi32, #tpu.memory_space<vmem>>
      %dma_start3A_26 = arith.constant 0 : i32
      %dma_start3A_27 = arith.constant 0 : i32
      %dma_start3A_28 = tpu.memref_slice %arg5[%dma_start3A_26, %dma_start3A_27] : memref<100000x128xf32, #tpu.memory_space<hbm>> -> memref<100000x128xf32, #tpu.memory_space<hbm>>
      tpu.enqueue_indirect_dma source(%dma_start3A_28 : memref<100000x128xf32, #tpu.memory_space<hbm>>) target(%arg14 : memref<40x128xf32, #tpu.memory_space<vmem>>) offsets(%dma_start3A_25 : memref<40xi32, #tpu.memory_space<vmem>>) semaphore(%arg18 : memref<!tpu.dma_semaphore, #tpu.memory_space<semaphore_mem>>)
      %dma_wait3A = tpu.memref_slice %arg11[%multiple_of3A_17] : memref<800xi32, #tpu.memory_space<vmem>> -> memref<40xi32, #tpu.memory_space<vmem>>
      %dma_wait3A_29 = arith.constant 0 : i32
      %dma_wait3A_30 = arith.constant 0 : i32
      %dma_wait3A_31 = tpu.memref_slice %arg4[%dma_wait3A_29, %dma_wait3A_30] : memref<100000x300xf32, #tpu.memory_space<hbm>> -> memref<100000x128xf32, #tpu.memory_space<hbm>>
      tpu.wait_indirect_dma semaphore(%arg18 : memref<!tpu.dma_semaphore, #tpu.memory_space<semaphore_mem>>) src(%dma_wait3A_31 : memref<100000x128xf32, #tpu.memory_space<hbm>>) dst(%arg12 : memref<40x128xf32, #tpu.memory_space<vmem>>)
      %dma_wait3A_32 = tpu.memref_slice %arg11[%multiple_of3A_17] : memref<800xi32, #tpu.memory_space<vmem>> -> memref<40xi32, #tpu.memory_space<vmem>>
      %dma_wait3A_33 = arith.constant 0 : i32
      %dma_wait3A_34 = arith.constant 128 : i32
      %dma_wait3A_35 = tpu.memref_slice %arg4[%dma_wait3A_33, %dma_wait3A_34] : memref<100000x300xf32, #tpu.memory_space<hbm>> -> memref<100000x128xf32, #tpu.memory_space<hbm>>
      tpu.wait_indirect_dma semaphore(%arg18 : memref<!tpu.dma_semaphore, #tpu.memory_space<semaphore_mem>>) src(%dma_wait3A_35 : memref<100000x128xf32, #tpu.memory_space<hbm>>) dst(%arg13 : memref<40x128xf32, #tpu.memory_space<vmem>>)
      %dma_wait3A_36 = tpu.memref_slice %arg11[%multiple_of3A_17] : memref<800xi32, #tpu.memory_space<vmem>> -> memref<40xi32, #tpu.memory_space<vmem>>
      %dma_wait3A_37 = arith.constant 0 : i32
      %dma_wait3A_38 = arith.constant 0 : i32
      %dma_wait3A_39 = tpu.memref_slice %arg5[%dma_wait3A_37, %dma_wait3A_38] : memref<100000x128xf32, #tpu.memory_space<hbm>> -> memref<100000x128xf32, #tpu.memory_space<hbm>>
      tpu.wait_indirect_dma semaphore(%arg18 : memref<!tpu.dma_semaphore, #tpu.memory_space<semaphore_mem>>) src(%dma_wait3A_39 : memref<100000x128xf32, #tpu.memory_space<hbm>>) dst(%arg14 : memref<40x128xf32, #tpu.memory_space<vmem>>)
      %add3A_40 = arith.addi %multiple_of3A, %multiple_of3A_17 : i32
      "tpu.region"() ({
        %run_scoped3A = tpu.sem_alloc : memref<!tpu.dma_semaphore, #tpu.memory_space<semaphore_mem>>
        %dma_start3A_43 = arith.constant 0 : i32
        %dma_start3A_44 = tpu.memref_slice %arg7[%add3A_40, %dma_start3A_43] : memref<25600x128xf32, #tpu.memory_space<hbm>> -> memref<40x128xf32, #tpu.memory_space<hbm>>
        %dma_start3A_45 = arith.constant 0 : i32
        %dma_start3A_46 = tpu.memref_slice %arg7[%add3A_40, %dma_start3A_45] : memref<25600x128xf32, #tpu.memory_space<hbm>> -> memref<40x128xf32, #tpu.memory_space<hbm>>
        tpu.enqueue_dma source(%arg12 : memref<40x128xf32, #tpu.memory_space<vmem>>) target(%dma_start3A_46 : memref<40x128xf32, #tpu.memory_space<hbm>>) target_semaphore(%run_scoped3A : memref<!tpu.dma_semaphore, #tpu.memory_space<semaphore_mem>>)
        %dma_wait3A_47 = arith.constant 0 : i32
        %dma_wait3A_48 = tpu.memref_slice %arg7[%add3A_40, %dma_wait3A_47] : memref<25600x128xf32, #tpu.memory_space<hbm>> -> memref<40x128xf32, #tpu.memory_space<hbm>>
        %dma_wait3A_49 = arith.constant 0 : i32
        %dma_wait3A_50 = tpu.memref_slice %arg7[%add3A_40, %dma_wait3A_49] : memref<25600x128xf32, #tpu.memory_space<hbm>> -> memref<40x128xf32, #tpu.memory_space<hbm>>
        tpu.wait_dma2 semaphore(%run_scoped3A : memref<!tpu.dma_semaphore, #tpu.memory_space<semaphore_mem>>) src(%arg12 : memref<40x128xf32, #tpu.memory_space<vmem>>) dst(%dma_wait3A_50 : memref<40x128xf32, #tpu.memory_space<hbm>>)
        tpu.yield
      }) : () -> ()
      %add3A_41 = arith.addi %multiple_of3A, %multiple_of3A_17 : i32
      "tpu.region"() ({
        %run_scoped3A = tpu.sem_alloc : memref<!tpu.dma_semaphore, #tpu.memory_space<semaphore_mem>>
        %dma_start3A_43 = arith.constant 0 : i32
        %dma_start3A_44 = tpu.memref_slice %arg8[%add3A_41, %dma_start3A_43] : memref<25600x128xf32, #tpu.memory_space<hbm>> -> memref<40x128xf32, #tpu.memory_space<hbm>>
        %dma_start3A_45 = arith.constant 0 : i32
        %dma_start3A_46 = tpu.memref_slice %arg8[%add3A_41, %dma_start3A_45] : memref<25600x128xf32, #tpu.memory_space<hbm>> -> memref<40x128xf32, #tpu.memory_space<hbm>>
        tpu.enqueue_dma source(%arg13 : memref<40x128xf32, #tpu.memory_space<vmem>>) target(%dma_start3A_46 : memref<40x128xf32, #tpu.memory_space<hbm>>) target_semaphore(%run_scoped3A : memref<!tpu.dma_semaphore, #tpu.memory_space<semaphore_mem>>)
        %dma_wait3A_47 = arith.constant 0 : i32
        %dma_wait3A_48 = tpu.memref_slice %arg8[%add3A_41, %dma_wait3A_47] : memref<25600x128xf32, #tpu.memory_space<hbm>> -> memref<40x128xf32, #tpu.memory_space<hbm>>
        %dma_wait3A_49 = arith.constant 0 : i32
        %dma_wait3A_50 = tpu.memref_slice %arg8[%add3A_41, %dma_wait3A_49] : memref<25600x128xf32, #tpu.memory_space<hbm>> -> memref<40x128xf32, #tpu.memory_space<hbm>>
        tpu.wait_dma2 semaphore(%run_scoped3A : memref<!tpu.dma_semaphore, #tpu.memory_space<semaphore_mem>>) src(%arg13 : memref<40x128xf32, #tpu.memory_space<vmem>>) dst(%dma_wait3A_50 : memref<40x128xf32, #tpu.memory_space<hbm>>)
        tpu.yield
      }) : () -> ()
      %add3A_42 = arith.addi %multiple_of3A, %multiple_of3A_17 : i32
      "tpu.region"() ({
        %run_scoped3A = tpu.sem_alloc : memref<!tpu.dma_semaphore, #tpu.memory_space<semaphore_mem>>
        %dma_start3A_43 = arith.constant 0 : i32
        %dma_start3A_44 = tpu.memref_slice %arg9[%add3A_42, %dma_start3A_43] : memref<25600x128xf32, #tpu.memory_space<hbm>> -> memref<40x128xf32, #tpu.memory_space<hbm>>
        %dma_start3A_45 = arith.constant 0 : i32
        %dma_start3A_46 = tpu.memref_slice %arg9[%add3A_42, %dma_start3A_45] : memref<25600x128xf32, #tpu.memory_space<hbm>> -> memref<40x128xf32, #tpu.memory_space<hbm>>
        tpu.enqueue_dma source(%arg14 : memref<40x128xf32, #tpu.memory_space<vmem>>) target(%dma_start3A_46 : memref<40x128xf32, #tpu.memory_space<hbm>>) target_semaphore(%run_scoped3A : memref<!tpu.dma_semaphore, #tpu.memory_space<semaphore_mem>>)
        %dma_wait3A_47 = arith.constant 0 : i32
        %dma_wait3A_48 = tpu.memref_slice %arg9[%add3A_42, %dma_wait3A_47] : memref<25600x128xf32, #tpu.memory_space<hbm>> -> memref<40x128xf32, #tpu.memory_space<hbm>>
        %dma_wait3A_49 = arith.constant 0 : i32
        %dma_wait3A_50 = tpu.memref_slice %arg9[%add3A_42, %dma_wait3A_49] : memref<25600x128xf32, #tpu.memory_space<hbm>> -> memref<40x128xf32, #tpu.memory_space<hbm>>
        tpu.wait_dma2 semaphore(%run_scoped3A : memref<!tpu.dma_semaphore, #tpu.memory_space<semaphore_mem>>) src(%arg14 : memref<40x128xf32, #tpu.memory_space<vmem>>) dst(%dma_wait3A_50 : memref<40x128xf32, #tpu.memory_space<hbm>>)
        tpu.yield
      }) : () -> ()
    }
    %scan3A_7 = arith.constant 20 : i32
    %scan3A_8 = arith.constant 0 : i32
    %scan3A_9 = arith.constant 0 : i32
    %scan3A_10 = arith.constant 10 : i32
    %scan3A_11 = arith.addi %scan3A_9, %scan3A_10 : i32
    %scan3A_12 = arith.constant 1 : i32
    scf.for %scan3A_14 = %scan3A_9 to %scan3A_11 step %scan3A_12  : i32 {
      %mul3A_15 = arith.constant 80 : i32
      %mul3A_16 = arith.muli %scan3A_14, %mul3A_15 : i32
      %add3A_17 = arith.addi %multiple_of3A, %mul3A_16 : i32
      %mul3A_18 = arith.constant 16 : i32
      %mul3A_19 = arith.muli %add3A_17, %mul3A_18 : i32
      %multiple_of3A_20 = tpu.assume_multiple %mul3A_19, 1280 : i32
      %dma_start3A = tpu.memref_slice %arg3[%multiple_of3A_20] : memref<409600xi32, #tpu.memory_space<hbm>> -> memref<1280xi32, #tpu.memory_space<hbm>>
      %dma_start3A_21 = tpu.memref_slice %arg3[%multiple_of3A_20] : memref<409600xi32, #tpu.memory_space<hbm>> -> memref<1280xi32, #tpu.memory_space<hbm>>
      tpu.enqueue_dma source(%dma_start3A_21 : memref<1280xi32, #tpu.memory_space<hbm>>) target(%arg16 : memref<1280xi32, #tpu.memory_space<vmem>>) target_semaphore(%arg19 : memref<!tpu.dma_semaphore, #tpu.memory_space<semaphore_mem>>)
      %dma_wait3A = tpu.memref_slice %arg3[%multiple_of3A_20] : memref<409600xi32, #tpu.memory_space<hbm>> -> memref<1280xi32, #tpu.memory_space<hbm>>
      %dma_wait3A_22 = tpu.memref_slice %arg3[%multiple_of3A_20] : memref<409600xi32, #tpu.memory_space<hbm>> -> memref<1280xi32, #tpu.memory_space<hbm>>
      tpu.wait_dma2 semaphore(%arg19 : memref<!tpu.dma_semaphore, #tpu.memory_space<semaphore_mem>>) src(%dma_wait3A_22 : memref<1280xi32, #tpu.memory_space<hbm>>) dst(%arg16 : memref<1280xi32, #tpu.memory_space<vmem>>)
      %scan3A_23 = arith.constant 0 : i32
      %scan3A_24 = arith.constant 0 : i32
      %scan3A_25 = arith.constant 80 : i32
      %scan3A_26 = arith.addi %scan3A_24, %scan3A_25 : i32
      %scan3A_27 = arith.constant 1 : i32
      scf.for %scan3A_32 = %scan3A_24 to %scan3A_26 step %scan3A_27  : i32 {
        %mul3A_33 = arith.constant 16 : i32
        %mul3A_34 = arith.muli %scan3A_32, %mul3A_33 : i32
        %get3A = arith.index_cast %mul3A_34 : i32 to index
        %get3A_35 = tpu.vector_load %arg16[%get3A] {strides = array<i32>} : memref<1280xi32, #tpu.memory_space<vmem>>, vector<16xi32>,
        %broadcast_in_dim3A = arith.constant 0.000000e+00 : f32
        %broadcast_in_dim3A_36 = vector.broadcast %broadcast_in_dim3A : f32 to vector<16xf32>
        %broadcast_in_dim3A_37 = arith.constant 0.000000e+00 : f32
        %broadcast_in_dim3A_38 = vector.broadcast %broadcast_in_dim3A_37 : f32 to vector<16xf32>
        %broadcast_in_dim3A_39 = arith.constant 0.000000e+00 : f32
        %broadcast_in_dim3A_40 = vector.broadcast %broadcast_in_dim3A_39 : f32 to vector<16xf32>
        %broadcast_in_dim3A_41 = arith.constant 0.000000e+00 : f32
        %broadcast_in_dim3A_42 = vector.broadcast %broadcast_in_dim3A_41 : f32 to vector<16xf32>
        %slice3A = vector.extract_strided_slice %get3A_35 {offsets = [0], sizes = [1], strides = [1]} : vector<16xi32> to vector<1xi32>
        %squeeze3A = vector.extract %slice3A[0] : i32 from vector<1xi32>
        %mul3A_43 = arith.constant 64 : i32
        %mul3A_44 = arith.muli %squeeze3A, %mul3A_43 : i32
        %multiple_of3A_45 = tpu.assume_multiple %mul3A_44, 16 : i32
        %add3A_46 = arith.constant 0 : i32
        %add3A_47 = arith.addi %multiple_of3A_45, %add3A_46 : i32
        %get3A_48 = arith.index_cast %add3A_47 : i32 to index
        %get3A_49 = tpu.vector_load %arg15[%get3A_48] {strides = array<i32>} : memref<88064xf32, #tpu.memory_space<vmem>>, vector<16xf32>,
        %add3A_50 = arith.addf %broadcast_in_dim3A_36, %get3A_49 : vector<16xf32>
        %add3A_51 = arith.constant 16 : i32
        %add3A_52 = arith.addi %multiple_of3A_45, %add3A_51 : i32
        %get3A_53 = arith.index_cast %add3A_52 : i32 to index
        %get3A_54 = tpu.vector_load %arg15[%get3A_53] {strides = array<i32>} : memref<88064xf32, #tpu.memory_space<vmem>>, vector<16xf32>,
        %add3A_55 = arith.addf %broadcast_in_dim3A_38, %get3A_54 : vector<16xf32>
        %add3A_56 = arith.constant 32 : i32
        %add3A_57 = arith.addi %multiple_of3A_45, %add3A_56 : i32
        %get3A_58 = arith.index_cast %add3A_57 : i32 to index
        %get3A_59 = tpu.vector_load %arg15[%get3A_58] {strides = array<i32>} : memref<88064xf32, #tpu.memory_space<vmem>>, vector<16xf32>,
        %add3A_60 = arith.addf %broadcast_in_dim3A_40, %get3A_59 : vector<16xf32>
        %add3A_61 = arith.constant 48 : i32
        %add3A_62 = arith.addi %multiple_of3A_45, %add3A_61 : i32
        %get3A_63 = arith.index_cast %add3A_62 : i32 to index
        %get3A_64 = tpu.vector_load %arg15[%get3A_63] {strides = array<i32>} : memref<88064xf32, #tpu.memory_space<vmem>>, vector<16xf32>,
        %add3A_65 = arith.addf %broadcast_in_dim3A_42, %get3A_64 : vector<16xf32>
        %slice3A_66 = vector.extract_strided_slice %get3A_35 {offsets = [1], sizes = [1], strides = [1]} : vector<16xi32> to vector<1xi32>
        %squeeze3A_67 = vector.extract %slice3A_66[0] : i32 from vector<1xi32>
        %mul3A_68 = arith.constant 64 : i32
        %mul3A_69 = arith.muli %squeeze3A_67, %mul3A_68 : i32
        %multiple_of3A_70 = tpu.assume_multiple %mul3A_69, 16 : i32
        %add3A_71 = arith.constant 0 : i32
        %add3A_72 = arith.addi %multiple_of3A_70, %add3A_71 : i32
        %get3A_73 = arith.index_cast %add3A_72 : i32 to index
        %get3A_74 = tpu.vector_load %arg15[%get3A_73] {strides = array<i32>} : memref<88064xf32, #tpu.memory_space<vmem>>, vector<16xf32>,
        %add3A_75 = arith.addf %add3A_50, %get3A_74 : vector<16xf32>
        %add3A_76 = arith.constant 16 : i32
        %add3A_77 = arith.addi %multiple_of3A_70, %add3A_76 : i32
        %get3A_78 = arith.index_cast %add3A_77 : i32 to index
        %get3A_79 = tpu.vector_load %arg15[%get3A_78] {strides = array<i32>} : memref<88064xf32, #tpu.memory_space<vmem>>, vector<16xf32>,
        %add3A_80 = arith.addf %add3A_55, %get3A_79 : vector<16xf32>
        %add3A_81 = arith.constant 32 : i32
        %add3A_82 = arith.addi %multiple_of3A_70, %add3A_81 : i32
        %get3A_83 = arith.index_cast %add3A_82 : i32 to index
        %get3A_84 = tpu.vector_load %arg15[%get3A_83] {strides = array<i32>} : memref<88064xf32, #tpu.memory_space<vmem>>, vector<16xf32>,
        %add3A_85 = arith.addf %add3A_60, %get3A_84 : vector<16xf32>
        %add3A_86 = arith.constant 48 : i32
        %add3A_87 = arith.addi %multiple_of3A_70, %add3A_86 : i32
        %get3A_88 = arith.index_cast %add3A_87 : i32 to index
        %get3A_89 = tpu.vector_load %arg15[%get3A_88] {strides = array<i32>} : memref<88064xf32, #tpu.memory_space<vmem>>, vector<16xf32>,
        %add3A_90 = arith.addf %add3A_65, %get3A_89 : vector<16xf32>
        %slice3A_91 = vector.extract_strided_slice %get3A_35 {offsets = [2], sizes = [1], strides = [1]} : vector<16xi32> to vector<1xi32>
        %squeeze3A_92 = vector.extract %slice3A_91[0] : i32 from vector<1xi32>
        %mul3A_93 = arith.constant 64 : i32
        %mul3A_94 = arith.muli %squeeze3A_92, %mul3A_93 : i32
        %multiple_of3A_95 = tpu.assume_multiple %mul3A_94, 16 : i32
        %add3A_96 = arith.constant 0 : i32
        %add3A_97 = arith.addi %multiple_of3A_95, %add3A_96 : i32
        %get3A_98 = arith.index_cast %add3A_97 : i32 to index
        %get3A_99 = tpu.vector_load %arg15[%get3A_98] {strides = array<i32>} : memref<88064xf32, #tpu.memory_space<vmem>>, vector<16xf32>,
        %add3A_100 = arith.addf %add3A_75, %get3A_99 : vector<16xf32>
        %add3A_101 = arith.constant 16 : i32
        %add3A_102 = arith.addi %multiple_of3A_95, %add3A_101 : i32
        %get3A_103 = arith.index_cast %add3A_102 : i32 to index
        %get3A_104 = tpu.vector_load %arg15[%get3A_103] {strides = array<i32>} : memref<88064xf32, #tpu.memory_space<vmem>>, vector<16xf32>,
        %add3A_105 = arith.addf %add3A_80, %get3A_104 : vector<16xf32>
        %add3A_106 = arith.constant 32 : i32
        %add3A_107 = arith.addi %multiple_of3A_95, %add3A_106 : i32
        %get3A_108 = arith.index_cast %add3A_107 : i32 to index
        %get3A_109 = tpu.vector_load %arg15[%get3A_108] {strides = array<i32>} : memref<88064xf32, #tpu.memory_space<vmem>>, vector<16xf32>,
        %add3A_110 = arith.addf %add3A_85, %get3A_109 : vector<16xf32>
        %add3A_111 = arith.constant 48 : i32
        %add3A_112 = arith.addi %multiple_of3A_95, %add3A_111 : i32
        %get3A_113 = arith.index_cast %add3A_112 : i32 to index
        %get3A_114 = tpu.vector_load %arg15[%get3A_113] {strides = array<i32>} : memref<88064xf32, #tpu.memory_space<vmem>>, vector<16xf32>,
        %add3A_115 = arith.addf %add3A_90, %get3A_114 : vector<16xf32>
        %slice3A_116 = vector.extract_strided_slice %get3A_35 {offsets = [3], sizes = [1], strides = [1]} : vector<16xi32> to vector<1xi32>
        %squeeze3A_117 = vector.extract %slice3A_116[0] : i32 from vector<1xi32>
        %mul3A_118 = arith.constant 64 : i32
        %mul3A_119 = arith.muli %squeeze3A_117, %mul3A_118 : i32
        %multiple_of3A_120 = tpu.assume_multiple %mul3A_119, 16 : i32
        %add3A_121 = arith.constant 0 : i32
        %add3A_122 = arith.addi %multiple_of3A_120, %add3A_121 : i32
        %get3A_123 = arith.index_cast %add3A_122 : i32 to index
        %get3A_124 = tpu.vector_load %arg15[%get3A_123] {strides = array<i32>} : memref<88064xf32, #tpu.memory_space<vmem>>, vector<16xf32>,
        %add3A_125 = arith.addf %add3A_100, %get3A_124 : vector<16xf32>
        %add3A_126 = arith.constant 16 : i32
        %add3A_127 = arith.addi %multiple_of3A_120, %add3A_126 : i32
        %get3A_128 = arith.index_cast %add3A_127 : i32 to index
        %get3A_129 = tpu.vector_load %arg15[%get3A_128] {strides = array<i32>} : memref<88064xf32, #tpu.memory_space<vmem>>, vector<16xf32>,
        %add3A_130 = arith.addf %add3A_105, %get3A_129 : vector<16xf32>
        %add3A_131 = arith.constant 32 : i32
        %add3A_132 = arith.addi %multiple_of3A_120, %add3A_131 : i32
        %get3A_133 = arith.index_cast %add3A_132 : i32 to index
        %get3A_134 = tpu.vector_load %arg15[%get3A_133] {strides = array<i32>} : memref<88064xf32, #tpu.memory_space<vmem>>, vector<16xf32>,
        %add3A_135 = arith.addf %add3A_110, %get3A_134 : vector<16xf32>
        %add3A_136 = arith.constant 48 : i32
        %add3A_137 = arith.addi %multiple_of3A_120, %add3A_136 : i32
        %get3A_138 = arith.index_cast %add3A_137 : i32 to index
        %get3A_139 = tpu.vector_load %arg15[%get3A_138] {strides = array<i32>} : memref<88064xf32, #tpu.memory_space<vmem>>, vector<16xf32>,
        %add3A_140 = arith.addf %add3A_115, %get3A_139 : vector<16xf32>
        %slice3A_141 = vector.extract_strided_slice %get3A_35 {offsets = [4], sizes = [1], strides = [1]} : vector<16xi32> to vector<1xi32>
        %squeeze3A_142 = vector.extract %slice3A_141[0] : i32 from vector<1xi32>
        %mul3A_143 = arith.constant 64 : i32
        %mul3A_144 = arith.muli %squeeze3A_142, %mul3A_143 : i32
        %multiple_of3A_145 = tpu.assume_multiple %mul3A_144, 16 : i32
        %add3A_146 = arith.constant 0 : i32
        %add3A_147 = arith.addi %multiple_of3A_145, %add3A_146 : i32
        %get3A_148 = arith.index_cast %add3A_147 : i32 to index
        %get3A_149 = tpu.vector_load %arg15[%get3A_148] {strides = array<i32>} : memref<88064xf32, #tpu.memory_space<vmem>>, vector<16xf32>,
        %add3A_150 = arith.addf %add3A_125, %get3A_149 : vector<16xf32>
        %add3A_151 = arith.constant 16 : i32
        %add3A_152 = arith.addi %multiple_of3A_145, %add3A_151 : i32
        %get3A_153 = arith.index_cast %add3A_152 : i32 to index
        %get3A_154 = tpu.vector_load %arg15[%get3A_153] {strides = array<i32>} : memref<88064xf32, #tpu.memory_space<vmem>>, vector<16xf32>,
        %add3A_155 = arith.addf %add3A_130, %get3A_154 : vector<16xf32>
        %add3A_156 = arith.constant 32 : i32
        %add3A_157 = arith.addi %multiple_of3A_145, %add3A_156 : i32
        %get3A_158 = arith.index_cast %add3A_157 : i32 to index
        %get3A_159 = tpu.vector_load %arg15[%get3A_158] {strides = array<i32>} : memref<88064xf32, #tpu.memory_space<vmem>>, vector<16xf32>,
        %add3A_160 = arith.addf %add3A_135, %get3A_159 : vector<16xf32>
        %add3A_161 = arith.constant 48 : i32
        %add3A_162 = arith.addi %multiple_of3A_145, %add3A_161 : i32
        %get3A_163 = arith.index_cast %add3A_162 : i32 to index
        %get3A_164 = tpu.vector_load %arg15[%get3A_163] {strides = array<i32>} : memref<88064xf32, #tpu.memory_space<vmem>>, vector<16xf32>,
        %add3A_165 = arith.addf %add3A_140, %get3A_164 : vector<16xf32>
        %slice3A_166 = vector.extract_strided_slice %get3A_35 {offsets = [5], sizes = [1], strides = [1]} : vector<16xi32> to vector<1xi32>
        %squeeze3A_167 = vector.extract %slice3A_166[0] : i32 from vector<1xi32>
        %mul3A_168 = arith.constant 64 : i32
        %mul3A_169 = arith.muli %squeeze3A_167, %mul3A_168 : i32
        %multiple_of3A_170 = tpu.assume_multiple %mul3A_169, 16 : i32
        %add3A_171 = arith.constant 0 : i32
        %add3A_172 = arith.addi %multiple_of3A_170, %add3A_171 : i32
        %get3A_173 = arith.index_cast %add3A_172 : i32 to index
        %get3A_174 = tpu.vector_load %arg15[%get3A_173] {strides = array<i32>} : memref<88064xf32, #tpu.memory_space<vmem>>, vector<16xf32>,
        %add3A_175 = arith.addf %add3A_150, %get3A_174 : vector<16xf32>
        %add3A_176 = arith.constant 16 : i32
        %add3A_177 = arith.addi %multiple_of3A_170, %add3A_176 : i32
        %get3A_178 = arith.index_cast %add3A_177 : i32 to index
        %get3A_179 = tpu.vector_load %arg15[%get3A_178] {strides = array<i32>} : memref<88064xf32, #tpu.memory_space<vmem>>, vector<16xf32>,
        %add3A_180 = arith.addf %add3A_155, %get3A_179 : vector<16xf32>
        %add3A_181 = arith.constant 32 : i32
        %add3A_182 = arith.addi %multiple_of3A_170, %add3A_181 : i32
        %get3A_183 = arith.index_cast %add3A_182 : i32 to index
        %get3A_184 = tpu.vector_load %arg15[%get3A_183] {strides = array<i32>} : memref<88064xf32, #tpu.memory_space<vmem>>, vector<16xf32>,
        %add3A_185 = arith.addf %add3A_160, %get3A_184 : vector<16xf32>
        %add3A_186 = arith.constant 48 : i32
        %add3A_187 = arith.addi %multiple_of3A_170, %add3A_186 : i32
        %get3A_188 = arith.index_cast %add3A_187 : i32 to index
        %get3A_189 = tpu.vector_load %arg15[%get3A_188] {strides = array<i32>} : memref<88064xf32, #tpu.memory_space<vmem>>, vector<16xf32>,
        %add3A_190 = arith.addf %add3A_165, %get3A_189 : vector<16xf32>
        %slice3A_191 = vector.extract_strided_slice %get3A_35 {offsets = [6], sizes = [1], strides = [1]} : vector<16xi32> to vector<1xi32>
        %squeeze3A_192 = vector.extract %slice3A_191[0] : i32 from vector<1xi32>
        %mul3A_193 = arith.constant 64 : i32
        %mul3A_194 = arith.muli %squeeze3A_192, %mul3A_193 : i32
        %multiple_of3A_195 = tpu.assume_multiple %mul3A_194, 16 : i32
        %add3A_196 = arith.constant 0 : i32
        %add3A_197 = arith.addi %multiple_of3A_195, %add3A_196 : i32
        %get3A_198 = arith.index_cast %add3A_197 : i32 to index
        %get3A_199 = tpu.vector_load %arg15[%get3A_198] {strides = array<i32>} : memref<88064xf32, #tpu.memory_space<vmem>>, vector<16xf32>,
        %add3A_200 = arith.addf %add3A_175, %get3A_199 : vector<16xf32>
        %add3A_201 = arith.constant 16 : i32
        %add3A_202 = arith.addi %multiple_of3A_195, %add3A_201 : i32
        %get3A_203 = arith.index_cast %add3A_202 : i32 to index
        %get3A_204 = tpu.vector_load %arg15[%get3A_203] {strides = array<i32>} : memref<88064xf32, #tpu.memory_space<vmem>>, vector<16xf32>,
        %add3A_205 = arith.addf %add3A_180, %get3A_204 : vector<16xf32>
        %add3A_206 = arith.constant 32 : i32
        %add3A_207 = arith.addi %multiple_of3A_195, %add3A_206 : i32
        %get3A_208 = arith.index_cast %add3A_207 : i32 to index
        %get3A_209 = tpu.vector_load %arg15[%get3A_208] {strides = array<i32>} : memref<88064xf32, #tpu.memory_space<vmem>>, vector<16xf32>,
        %add3A_210 = arith.addf %add3A_185, %get3A_209 : vector<16xf32>
        %add3A_211 = arith.constant 48 : i32
        %add3A_212 = arith.addi %multiple_of3A_195, %add3A_211 : i32
        %get3A_213 = arith.index_cast %add3A_212 : i32 to index
        %get3A_214 = tpu.vector_load %arg15[%get3A_213] {strides = array<i32>} : memref<88064xf32, #tpu.memory_space<vmem>>, vector<16xf32>,
        %add3A_215 = arith.addf %add3A_190, %get3A_214 : vector<16xf32>
        %slice3A_216 = vector.extract_strided_slice %get3A_35 {offsets = [7], sizes = [1], strides = [1]} : vector<16xi32> to vector<1xi32>
        %squeeze3A_217 = vector.extract %slice3A_216[0] : i32 from vector<1xi32>
        %mul3A_218 = arith.constant 64 : i32
        %mul3A_219 = arith.muli %squeeze3A_217, %mul3A_218 : i32
        %multiple_of3A_220 = tpu.assume_multiple %mul3A_219, 16 : i32
        %add3A_221 = arith.constant 0 : i32
        %add3A_222 = arith.addi %multiple_of3A_220, %add3A_221 : i32
        %get3A_223 = arith.index_cast %add3A_222 : i32 to index
        %get3A_224 = tpu.vector_load %arg15[%get3A_223] {strides = array<i32>} : memref<88064xf32, #tpu.memory_space<vmem>>, vector<16xf32>,
        %add3A_225 = arith.addf %add3A_200, %get3A_224 : vector<16xf32>
        %add3A_226 = arith.constant 16 : i32
        %add3A_227 = arith.addi %multiple_of3A_220, %add3A_226 : i32
        %get3A_228 = arith.index_cast %add3A_227 : i32 to index
        %get3A_229 = tpu.vector_load %arg15[%get3A_228] {strides = array<i32>} : memref<88064xf32, #tpu.memory_space<vmem>>, vector<16xf32>,
        %add3A_230 = arith.addf %add3A_205, %get3A_229 : vector<16xf32>
        %add3A_231 = arith.constant 32 : i32
        %add3A_232 = arith.addi %multiple_of3A_220, %add3A_231 : i32
        %get3A_233 = arith.index_cast %add3A_232 : i32 to index
        %get3A_234 = tpu.vector_load %arg15[%get3A_233] {strides = array<i32>} : memref<88064xf32, #tpu.memory_space<vmem>>, vector<16xf32>,
        %add3A_235 = arith.addf %add3A_210, %get3A_234 : vector<16xf32>
        %add3A_236 = arith.constant 48 : i32
        %add3A_237 = arith.addi %multiple_of3A_220, %add3A_236 : i32
        %get3A_238 = arith.index_cast %add3A_237 : i32 to index
        %get3A_239 = tpu.vector_load %arg15[%get3A_238] {strides = array<i32>} : memref<88064xf32, #tpu.memory_space<vmem>>, vector<16xf32>,
        %add3A_240 = arith.addf %add3A_215, %get3A_239 : vector<16xf32>
        %slice3A_241 = vector.extract_strided_slice %get3A_35 {offsets = [8], sizes = [1], strides = [1]} : vector<16xi32> to vector<1xi32>
        %squeeze3A_242 = vector.extract %slice3A_241[0] : i32 from vector<1xi32>
        %mul3A_243 = arith.constant 64 : i32
        %mul3A_244 = arith.muli %squeeze3A_242, %mul3A_243 : i32
        %multiple_of3A_245 = tpu.assume_multiple %mul3A_244, 16 : i32
        %add3A_246 = arith.constant 0 : i32
        %add3A_247 = arith.addi %multiple_of3A_245, %add3A_246 : i32
        %get3A_248 = arith.index_cast %add3A_247 : i32 to index
        %get3A_249 = tpu.vector_load %arg15[%get3A_248] {strides = array<i32>} : memref<88064xf32, #tpu.memory_space<vmem>>, vector<16xf32>,
        %add3A_250 = arith.addf %add3A_225, %get3A_249 : vector<16xf32>
        %add3A_251 = arith.constant 16 : i32
        %add3A_252 = arith.addi %multiple_of3A_245, %add3A_251 : i32
        %get3A_253 = arith.index_cast %add3A_252 : i32 to index
        %get3A_254 = tpu.vector_load %arg15[%get3A_253] {strides = array<i32>} : memref<88064xf32, #tpu.memory_space<vmem>>, vector<16xf32>,
        %add3A_255 = arith.addf %add3A_230, %get3A_254 : vector<16xf32>
        %add3A_256 = arith.constant 32 : i32
        %add3A_257 = arith.addi %multiple_of3A_245, %add3A_256 : i32
        %get3A_258 = arith.index_cast %add3A_257 : i32 to index
        %get3A_259 = tpu.vector_load %arg15[%get3A_258] {strides = array<i32>} : memref<88064xf32, #tpu.memory_space<vmem>>, vector<16xf32>,
        %add3A_260 = arith.addf %add3A_235, %get3A_259 : vector<16xf32>
        %add3A_261 = arith.constant 48 : i32
        %add3A_262 = arith.addi %multiple_of3A_245, %add3A_261 : i32
        %get3A_263 = arith.index_cast %add3A_262 : i32 to index
        %get3A_264 = tpu.vector_load %arg15[%get3A_263] {strides = array<i32>} : memref<88064xf32, #tpu.memory_space<vmem>>, vector<16xf32>,
        %add3A_265 = arith.addf %add3A_240, %get3A_264 : vector<16xf32>
        %slice3A_266 = vector.extract_strided_slice %get3A_35 {offsets = [9], sizes = [1], strides = [1]} : vector<16xi32> to vector<1xi32>
        %squeeze3A_267 = vector.extract %slice3A_266[0] : i32 from vector<1xi32>
        %mul3A_268 = arith.constant 64 : i32
        %mul3A_269 = arith.muli %squeeze3A_267, %mul3A_268 : i32
        %multiple_of3A_270 = tpu.assume_multiple %mul3A_269, 16 : i32
        %add3A_271 = arith.constant 0 : i32
        %add3A_272 = arith.addi %multiple_of3A_270, %add3A_271 : i32
        %get3A_273 = arith.index_cast %add3A_272 : i32 to index
        %get3A_274 = tpu.vector_load %arg15[%get3A_273] {strides = array<i32>} : memref<88064xf32, #tpu.memory_space<vmem>>, vector<16xf32>,
        %add3A_275 = arith.addf %add3A_250, %get3A_274 : vector<16xf32>
        %add3A_276 = arith.constant 16 : i32
        %add3A_277 = arith.addi %multiple_of3A_270, %add3A_276 : i32
        %get3A_278 = arith.index_cast %add3A_277 : i32 to index
        %get3A_279 = tpu.vector_load %arg15[%get3A_278] {strides = array<i32>} : memref<88064xf32, #tpu.memory_space<vmem>>, vector<16xf32>,
        %add3A_280 = arith.addf %add3A_255, %get3A_279 : vector<16xf32>
        %add3A_281 = arith.constant 32 : i32
        %add3A_282 = arith.addi %multiple_of3A_270, %add3A_281 : i32
        %get3A_283 = arith.index_cast %add3A_282 : i32 to index
        %get3A_284 = tpu.vector_load %arg15[%get3A_283] {strides = array<i32>} : memref<88064xf32, #tpu.memory_space<vmem>>, vector<16xf32>,
        %add3A_285 = arith.addf %add3A_260, %get3A_284 : vector<16xf32>
        %add3A_286 = arith.constant 48 : i32
        %add3A_287 = arith.addi %multiple_of3A_270, %add3A_286 : i32
        %get3A_288 = arith.index_cast %add3A_287 : i32 to index
        %get3A_289 = tpu.vector_load %arg15[%get3A_288] {strides = array<i32>} : memref<88064xf32, #tpu.memory_space<vmem>>, vector<16xf32>,
        %add3A_290 = arith.addf %add3A_265, %get3A_289 : vector<16xf32>
        %slice3A_291 = vector.extract_strided_slice %get3A_35 {offsets = [10], sizes = [1], strides = [1]} : vector<16xi32> to vector<1xi32>
        %squeeze3A_292 = vector.extract %slice3A_291[0] : i32 from vector<1xi32>
        %mul3A_293 = arith.constant 64 : i32
        %mul3A_294 = arith.muli %squeeze3A_292, %mul3A_293 : i32
        %multiple_of3A_295 = tpu.assume_multiple %mul3A_294, 16 : i32
        %add3A_296 = arith.constant 0 : i32
        %add3A_297 = arith.addi %multiple_of3A_295, %add3A_296 : i32
        %get3A_298 = arith.index_cast %add3A_297 : i32 to index
        %get3A_299 = tpu.vector_load %arg15[%get3A_298] {strides = array<i32>} : memref<88064xf32, #tpu.memory_space<vmem>>, vector<16xf32>,
        %add3A_300 = arith.addf %add3A_275, %get3A_299 : vector<16xf32>
        %add3A_301 = arith.constant 16 : i32
        %add3A_302 = arith.addi %multiple_of3A_295, %add3A_301 : i32
        %get3A_303 = arith.index_cast %add3A_302 : i32 to index
        %get3A_304 = tpu.vector_load %arg15[%get3A_303] {strides = array<i32>} : memref<88064xf32, #tpu.memory_space<vmem>>, vector<16xf32>,
        %add3A_305 = arith.addf %add3A_280, %get3A_304 : vector<16xf32>
        %add3A_306 = arith.constant 32 : i32
        %add3A_307 = arith.addi %multiple_of3A_295, %add3A_306 : i32
        %get3A_308 = arith.index_cast %add3A_307 : i32 to index
        %get3A_309 = tpu.vector_load %arg15[%get3A_308] {strides = array<i32>} : memref<88064xf32, #tpu.memory_space<vmem>>, vector<16xf32>,
        %add3A_310 = arith.addf %add3A_285, %get3A_309 : vector<16xf32>
        %add3A_311 = arith.constant 48 : i32
        %add3A_312 = arith.addi %multiple_of3A_295, %add3A_311 : i32
        %get3A_313 = arith.index_cast %add3A_312 : i32 to index
        %get3A_314 = tpu.vector_load %arg15[%get3A_313] {strides = array<i32>} : memref<88064xf32, #tpu.memory_space<vmem>>, vector<16xf32>,
        %add3A_315 = arith.addf %add3A_290, %get3A_314 : vector<16xf32>
        %slice3A_316 = vector.extract_strided_slice %get3A_35 {offsets = [11], sizes = [1], strides = [1]} : vector<16xi32> to vector<1xi32>
        %squeeze3A_317 = vector.extract %slice3A_316[0] : i32 from vector<1xi32>
        %mul3A_318 = arith.constant 64 : i32
        %mul3A_319 = arith.muli %squeeze3A_317, %mul3A_318 : i32
        %multiple_of3A_320 = tpu.assume_multiple %mul3A_319, 16 : i32
        %add3A_321 = arith.constant 0 : i32
        %add3A_322 = arith.addi %multiple_of3A_320, %add3A_321 : i32
        %get3A_323 = arith.index_cast %add3A_322 : i32 to index
        %get3A_324 = tpu.vector_load %arg15[%get3A_323] {strides = array<i32>} : memref<88064xf32, #tpu.memory_space<vmem>>, vector<16xf32>,
        %add3A_325 = arith.addf %add3A_300, %get3A_324 : vector<16xf32>
        %add3A_326 = arith.constant 16 : i32
        %add3A_327 = arith.addi %multiple_of3A_320, %add3A_326 : i32
        %get3A_328 = arith.index_cast %add3A_327 : i32 to index
        %get3A_329 = tpu.vector_load %arg15[%get3A_328] {strides = array<i32>} : memref<88064xf32, #tpu.memory_space<vmem>>, vector<16xf32>,
        %add3A_330 = arith.addf %add3A_305, %get3A_329 : vector<16xf32>
        %add3A_331 = arith.constant 32 : i32
        %add3A_332 = arith.addi %multiple_of3A_320, %add3A_331 : i32
        %get3A_333 = arith.index_cast %add3A_332 : i32 to index
        %get3A_334 = tpu.vector_load %arg15[%get3A_333] {strides = array<i32>} : memref<88064xf32, #tpu.memory_space<vmem>>, vector<16xf32>,
        %add3A_335 = arith.addf %add3A_310, %get3A_334 : vector<16xf32>
        %add3A_336 = arith.constant 48 : i32
        %add3A_337 = arith.addi %multiple_of3A_320, %add3A_336 : i32
        %get3A_338 = arith.index_cast %add3A_337 : i32 to index
        %get3A_339 = tpu.vector_load %arg15[%get3A_338] {strides = array<i32>} : memref<88064xf32, #tpu.memory_space<vmem>>, vector<16xf32>,
        %add3A_340 = arith.addf %add3A_315, %get3A_339 : vector<16xf32>
        %slice3A_341 = vector.extract_strided_slice %get3A_35 {offsets = [12], sizes = [1], strides = [1]} : vector<16xi32> to vector<1xi32>
        %squeeze3A_342 = vector.extract %slice3A_341[0] : i32 from vector<1xi32>
        %mul3A_343 = arith.constant 64 : i32
        %mul3A_344 = arith.muli %squeeze3A_342, %mul3A_343 : i32
        %multiple_of3A_345 = tpu.assume_multiple %mul3A_344, 16 : i32
        %add3A_346 = arith.constant 0 : i32
        %add3A_347 = arith.addi %multiple_of3A_345, %add3A_346 : i32
        %get3A_348 = arith.index_cast %add3A_347 : i32 to index
        %get3A_349 = tpu.vector_load %arg15[%get3A_348] {strides = array<i32>} : memref<88064xf32, #tpu.memory_space<vmem>>, vector<16xf32>,
        %add3A_350 = arith.addf %add3A_325, %get3A_349 : vector<16xf32>
        %add3A_351 = arith.constant 16 : i32
        %add3A_352 = arith.addi %multiple_of3A_345, %add3A_351 : i32
        %get3A_353 = arith.index_cast %add3A_352 : i32 to index
        %get3A_354 = tpu.vector_load %arg15[%get3A_353] {strides = array<i32>} : memref<88064xf32, #tpu.memory_space<vmem>>, vector<16xf32>,
        %add3A_355 = arith.addf %add3A_330, %get3A_354 : vector<16xf32>
        %add3A_356 = arith.constant 32 : i32
        %add3A_357 = arith.addi %multiple_of3A_345, %add3A_356 : i32
        %get3A_358 = arith.index_cast %add3A_357 : i32 to index
        %get3A_359 = tpu.vector_load %arg15[%get3A_358] {strides = array<i32>} : memref<88064xf32, #tpu.memory_space<vmem>>, vector<16xf32>,
        %add3A_360 = arith.addf %add3A_335, %get3A_359 : vector<16xf32>
        %add3A_361 = arith.constant 48 : i32
        %add3A_362 = arith.addi %multiple_of3A_345, %add3A_361 : i32
        %get3A_363 = arith.index_cast %add3A_362 : i32 to index
        %get3A_364 = tpu.vector_load %arg15[%get3A_363] {strides = array<i32>} : memref<88064xf32, #tpu.memory_space<vmem>>, vector<16xf32>,
        %add3A_365 = arith.addf %add3A_340, %get3A_364 : vector<16xf32>
        %slice3A_366 = vector.extract_strided_slice %get3A_35 {offsets = [13], sizes = [1], strides = [1]} : vector<16xi32> to vector<1xi32>
        %squeeze3A_367 = vector.extract %slice3A_366[0] : i32 from vector<1xi32>
        %mul3A_368 = arith.constant 64 : i32
        %mul3A_369 = arith.muli %squeeze3A_367, %mul3A_368 : i32
        %multiple_of3A_370 = tpu.assume_multiple %mul3A_369, 16 : i32
        %add3A_371 = arith.constant 0 : i32
        %add3A_372 = arith.addi %multiple_of3A_370, %add3A_371 : i32
        %get3A_373 = arith.index_cast %add3A_372 : i32 to index
        %get3A_374 = tpu.vector_load %arg15[%get3A_373] {strides = array<i32>} : memref<88064xf32, #tpu.memory_space<vmem>>, vector<16xf32>,
        %add3A_375 = arith.addf %add3A_350, %get3A_374 : vector<16xf32>
        %add3A_376 = arith.constant 16 : i32
        %add3A_377 = arith.addi %multiple_of3A_370, %add3A_376 : i32
        %get3A_378 = arith.index_cast %add3A_377 : i32 to index
        %get3A_379 = tpu.vector_load %arg15[%get3A_378] {strides = array<i32>} : memref<88064xf32, #tpu.memory_space<vmem>>, vector<16xf32>,
        %add3A_380 = arith.addf %add3A_355, %get3A_379 : vector<16xf32>
        %add3A_381 = arith.constant 32 : i32
        %add3A_382 = arith.addi %multiple_of3A_370, %add3A_381 : i32
        %get3A_383 = arith.index_cast %add3A_382 : i32 to index
        %get3A_384 = tpu.vector_load %arg15[%get3A_383] {strides = array<i32>} : memref<88064xf32, #tpu.memory_space<vmem>>, vector<16xf32>,
        %add3A_385 = arith.addf %add3A_360, %get3A_384 : vector<16xf32>
        %add3A_386 = arith.constant 48 : i32
        %add3A_387 = arith.addi %multiple_of3A_370, %add3A_386 : i32
        %get3A_388 = arith.index_cast %add3A_387 : i32 to index
        %get3A_389 = tpu.vector_load %arg15[%get3A_388] {strides = array<i32>} : memref<88064xf32, #tpu.memory_space<vmem>>, vector<16xf32>,
        %add3A_390 = arith.addf %add3A_365, %get3A_389 : vector<16xf32>
        %slice3A_391 = vector.extract_strided_slice %get3A_35 {offsets = [14], sizes = [1], strides = [1]} : vector<16xi32> to vector<1xi32>
        %squeeze3A_392 = vector.extract %slice3A_391[0] : i32 from vector<1xi32>
        %mul3A_393 = arith.constant 64 : i32
        %mul3A_394 = arith.muli %squeeze3A_392, %mul3A_393 : i32
        %multiple_of3A_395 = tpu.assume_multiple %mul3A_394, 16 : i32
        %add3A_396 = arith.constant 0 : i32
        %add3A_397 = arith.addi %multiple_of3A_395, %add3A_396 : i32
        %get3A_398 = arith.index_cast %add3A_397 : i32 to index
        %get3A_399 = tpu.vector_load %arg15[%get3A_398] {strides = array<i32>} : memref<88064xf32, #tpu.memory_space<vmem>>, vector<16xf32>,
        %add3A_400 = arith.addf %add3A_375, %get3A_399 : vector<16xf32>
        %add3A_401 = arith.constant 16 : i32
        %add3A_402 = arith.addi %multiple_of3A_395, %add3A_401 : i32
        %get3A_403 = arith.index_cast %add3A_402 : i32 to index
        %get3A_404 = tpu.vector_load %arg15[%get3A_403] {strides = array<i32>} : memref<88064xf32, #tpu.memory_space<vmem>>, vector<16xf32>,
        %add3A_405 = arith.addf %add3A_380, %get3A_404 : vector<16xf32>
        %add3A_406 = arith.constant 32 : i32
        %add3A_407 = arith.addi %multiple_of3A_395, %add3A_406 : i32
        %get3A_408 = arith.index_cast %add3A_407 : i32 to index
        %get3A_409 = tpu.vector_load %arg15[%get3A_408] {strides = array<i32>} : memref<88064xf32, #tpu.memory_space<vmem>>, vector<16xf32>,
        %add3A_410 = arith.addf %add3A_385, %get3A_409 : vector<16xf32>
        %add3A_411 = arith.constant 48 : i32
        %add3A_412 = arith.addi %multiple_of3A_395, %add3A_411 : i32
        %get3A_413 = arith.index_cast %add3A_412 : i32 to index
        %get3A_414 = tpu.vector_load %arg15[%get3A_413] {strides = array<i32>} : memref<88064xf32, #tpu.memory_space<vmem>>, vector<16xf32>,
        %add3A_415 = arith.addf %add3A_390, %get3A_414 : vector<16xf32>
        %slice3A_416 = vector.extract_strided_slice %get3A_35 {offsets = [15], sizes = [1], strides = [1]} : vector<16xi32> to vector<1xi32>
        %squeeze3A_417 = vector.extract %slice3A_416[0] : i32 from vector<1xi32>
        %mul3A_418 = arith.constant 64 : i32
        %mul3A_419 = arith.muli %squeeze3A_417, %mul3A_418 : i32
        %multiple_of3A_420 = tpu.assume_multiple %mul3A_419, 16 : i32
        %add3A_421 = arith.constant 0 : i32
        %add3A_422 = arith.addi %multiple_of3A_420, %add3A_421 : i32
        %get3A_423 = arith.index_cast %add3A_422 : i32 to index
        %get3A_424 = tpu.vector_load %arg15[%get3A_423] {strides = array<i32>} : memref<88064xf32, #tpu.memory_space<vmem>>, vector<16xf32>,
        %add3A_425 = arith.addf %add3A_400, %get3A_424 : vector<16xf32>
        %add3A_426 = arith.constant 16 : i32
        %add3A_427 = arith.addi %multiple_of3A_420, %add3A_426 : i32
        %get3A_428 = arith.index_cast %add3A_427 : i32 to index
        %get3A_429 = tpu.vector_load %arg15[%get3A_428] {strides = array<i32>} : memref<88064xf32, #tpu.memory_space<vmem>>, vector<16xf32>,
        %add3A_430 = arith.addf %add3A_405, %get3A_429 : vector<16xf32>
        %add3A_431 = arith.constant 32 : i32
        %add3A_432 = arith.addi %multiple_of3A_420, %add3A_431 : i32
        %get3A_433 = arith.index_cast %add3A_432 : i32 to index
        %get3A_434 = tpu.vector_load %arg15[%get3A_433] {strides = array<i32>} : memref<88064xf32, #tpu.memory_space<vmem>>, vector<16xf32>,
        %add3A_435 = arith.addf %add3A_410, %get3A_434 : vector<16xf32>
        %add3A_436 = arith.constant 48 : i32
        %add3A_437 = arith.addi %multiple_of3A_420, %add3A_436 : i32
        %get3A_438 = arith.index_cast %add3A_437 : i32 to index
        %get3A_439 = tpu.vector_load %arg15[%get3A_438] {strides = array<i32>} : memref<88064xf32, #tpu.memory_space<vmem>>, vector<16xf32>,
        %add3A_440 = arith.addf %add3A_415, %get3A_439 : vector<16xf32>
        %swap3A = arith.index_cast %scan3A_32 : i32 to index
        %swap3A_441 = arith.constant 0 : index
        %swap3A_442 = tpu.vector_load %arg17[%swap3A, %swap3A_441] {strides = array<i32>} : memref<80x64xf32, #tpu.memory_space<vmem>>, vector<16xf32>,
        tpu.vector_store %arg17[%swap3A, %swap3A_441], %add3A_425 {strides = array<i32>} : memref<80x64xf32, #tpu.memory_space<vmem>>, vector<16xf32>,
        %swap3A_443 = arith.index_cast %scan3A_32 : i32 to index
        %swap3A_444 = arith.constant 16 : index
        %swap3A_445 = tpu.vector_load %arg17[%swap3A_443, %swap3A_444] {strides = array<i32>} : memref<80x64xf32, #tpu.memory_space<vmem>>, vector<16xf32>,
        tpu.vector_store %arg17[%swap3A_443, %swap3A_444], %add3A_430 {strides = array<i32>} : memref<80x64xf32, #tpu.memory_space<vmem>>, vector<16xf32>,
        %swap3A_446 = arith.index_cast %scan3A_32 : i32 to index
        %swap3A_447 = arith.constant 32 : index
        %swap3A_448 = tpu.vector_load %arg17[%swap3A_446, %swap3A_447] {strides = array<i32>} : memref<80x64xf32, #tpu.memory_space<vmem>>, vector<16xf32>,
        tpu.vector_store %arg17[%swap3A_446, %swap3A_447], %add3A_435 {strides = array<i32>} : memref<80x64xf32, #tpu.memory_space<vmem>>, vector<16xf32>,
        %swap3A_449 = arith.index_cast %scan3A_32 : i32 to index
        %swap3A_450 = arith.constant 48 : index
        %swap3A_451 = tpu.vector_load %arg17[%swap3A_449, %swap3A_450] {strides = array<i32>} : memref<80x64xf32, #tpu.memory_space<vmem>>, vector<16xf32>,
        tpu.vector_store %arg17[%swap3A_449, %swap3A_450], %add3A_440 {strides = array<i32>} : memref<80x64xf32, #tpu.memory_space<vmem>>, vector<16xf32>,
      }
      %scan3A_28 = arith.constant 80 : i32
      %mul3A_29 = arith.constant 80 : i32
      %mul3A_30 = arith.muli %scan3A_14, %mul3A_29 : i32
      %add3A_31 = arith.addi %multiple_of3A, %mul3A_30 : i32
      "tpu.region"() ({
        %run_scoped3A = tpu.sem_alloc : memref<!tpu.dma_semaphore, #tpu.memory_space<semaphore_mem>>
        %dma_start3A_32 = arith.constant 0 : i32
        %dma_start3A_33 = tpu.memref_slice %arg10[%add3A_31, %dma_start3A_32] : memref<25600x64xf32, #tpu.memory_space<hbm>> -> memref<80x64xf32, #tpu.memory_space<hbm>>
        %dma_start3A_34 = arith.constant 0 : i32
        %dma_start3A_35 = tpu.memref_slice %arg10[%add3A_31, %dma_start3A_34] : memref<25600x64xf32, #tpu.memory_space<hbm>> -> memref<80x64xf32, #tpu.memory_space<hbm>>
        tpu.enqueue_dma source(%arg17 : memref<80x64xf32, #tpu.memory_space<vmem>>) target(%dma_start3A_35 : memref<80x64xf32, #tpu.memory_space<hbm>>) target_semaphore(%run_scoped3A : memref<!tpu.dma_semaphore, #tpu.memory_space<semaphore_mem>>)
        %dma_wait3A_36 = arith.constant 0 : i32
        %dma_wait3A_37 = tpu.memref_slice %arg10[%add3A_31, %dma_wait3A_36] : memref<25600x64xf32, #tpu.memory_space<hbm>> -> memref<80x64xf32, #tpu.memory_space<hbm>>
        %dma_wait3A_38 = arith.constant 0 : i32
        %dma_wait3A_39 = tpu.memref_slice %arg10[%add3A_31, %dma_wait3A_38] : memref<25600x64xf32, #tpu.memory_space<hbm>> -> memref<80x64xf32, #tpu.memory_space<hbm>>
        tpu.wait_dma2 semaphore(%run_scoped3A : memref<!tpu.dma_semaphore, #tpu.memory_space<semaphore_mem>>) src(%arg17 : memref<80x64xf32, #tpu.memory_space<vmem>>) dst(%dma_wait3A_39 : memref<80x64xf32, #tpu.memory_space<hbm>>)
        tpu.yield
      }) : () -> ()
    }
    %scan3A_13 = arith.constant 10 : i32
    return
  }
}

</mosaic_0001>

<sc_bundles>
// kernel: _sc_gather.3.cloned.1.call-start
scs
__scs_entry_jumppad:
0x0: {  	(pc) =	sbr.rel $0x88, $3  }
0x1: {  	(tag) =	ssettag $0x0;
	lr =	simm.s32 $0x1  }
0x2: {  	[smem:$0x3F9C] =	sst lr;
	_ =	strace $0xD0000000  }
0x3: {  	_ = 	snop  }
0x4: {  	_ = 	snop  }
0x5: {  	_ = 	snop  }
0x6: {  	_ = 	snop  }
0x7: {  	_ = 	snop  }
__scs_overlays_trampoline_lowered:
0x8: {  	[smem:$0x3FAB] =	sst s0  }
0x9: {  	[smem:$0x3FAC] =	sst s1  }
0xa: {  	[smem:$0x3FAD] =	sst s2  }
0xb: {  	[smem:$0x3FAE] =	sst s3  }
0xc: {  	[smem:$0x3FAF] =	sst s4  }
0xd: {  	[smem:$0x3FB0] =	sst s5  }
0xe: {  	[smem:$0x3FB1] =	sst s6  }
0xf: {  	[smem:$0x3FB2] =	sst s7  }
0x10: {  	[smem:$0x3FB3] =	sst s8  }
0x11: {  	[smem:$0x3FB4] =	sst s9;
	s0 =	simm.s32 @!p0 $0x0  }
0x12: {  	s1 =	sld [smem:$0x3F9A];
	s0 =	simm.s32 @p0 $0x1  }
0x13: {  	[smem:$0x3FB5] =	sst s0;
	s0 =	simm.s32 @!p1 $0x0  }
0x14: {  	s2 =	sld [smem:$0x3F99];
	s0 =	simm.s32 @p1 $0x1  }
0x15: {  	[smem:$0x3FB6] =	sst s0;
	s0 =	simm.s32 @!p2 $0x0  }
0x16: {  	s3 =	sld [smem:$0x3FDB];
	s0 =	simm.s32 @p2 $0x1  }
0x17: {  	s4 =	simm.s32 $0x1BF5;
	[smem:$0x3FB8] =	sst s0  }
0x18: {  	s0 =	sld [smem:$0x3F9B];
	_ =	swait.ge [sflag:s4], $0x0  }
0x19: {  	s7 =	sld [smem:$0x3F9C]  }
0x1a: {  	s8 =	sadd.s32 $0xFFFFE003, lr  }
0x1b: {  	s9 =	sadd.s32 $0xFFFFFEF7, lr;
	s5 =	simm.s32 $0xFFFFFFFF;
	p2 =	slt.u32 s8, $0xFFFFF086  }
0x1c: {  	p1 =	slt.u32 s9, $0xF7A;
	s5 =	simm.s32 @!p2 $0x0  }
0x1d: {  	s5 =	simm.s32 @p1 $0x1;
	p0 =	seq.s32 s7, s2  }
0x1e: {  	s7 =	smul.u32 @!p0 $0xF7A, s2;
	p2 =	seq.s32 @!p0 s5, $0x0  }
0x1f: {  	s9 =	smul.u32 $0xF7A, s1;
	s8 =	simm.s32 @!p0 $0x1BF5;
	p2 =	por !p2, p0  }
0x20: {  	[sflag:s8] =	ssyncset.s32 @!p0 $0xFFFFF086;
	s6 =	sadd.s32 @!p0 s3, s7;
	s7 =	simm.s32 @!p0 $0x108  }
0x21: {  	s3 =	sadd.s32 s3, s9;
	s6 =	sadd.s32 @!p0 $0x88, s6;
	s7 =	simm.s32 @p2 $0x1082  }
0x22: {  	[simem:s7], [sflag:s8] =	dma.local @!p0 [hbm:s6], $0xF7A  }
0x23: {  	s9 =	sor.u32 $0xD0000000, s2;
	s6 =	simm.s32 $0x108;
	_ =	swait.ge @!p0 [sflag:s8], $0x0  }
0x24: {  	s3 =	sadd.s32 $0x88, s3;
	s6 =	simm.s32 @!p1 $0x1082;
	[sflag:s4] =	ssyncset.s32 $0xFFFFF086  }
0x25: {  	[simem:s6], [sflag:s4] =	dma.local [hbm:s3], $0xF7A  }
0x26: {  	[smem:$0x3F9C] =	sst s1;
	(tag) =	ssettag s2;
	_ =	strace s9  }
0x27: {  	s1 =	sld [smem:$0x3FAC]  }
0x28: {  	s2 =	sld [smem:$0x3FAD]  }
0x29: {  	s4 =	sld [smem:$0x3FAF]  }
0x2a: {  	p0 =	seq.s32 s5, $0x0;
	s5 =	sld [smem:$0x3FB0]  }
0x2b: {  	s6 =	sld [smem:$0x3FB1]  }
0x2c: {  	s7 =	sld [smem:$0x3FB2]  }
0x2d: {  	s3 =	simm.s32 $0x108;
	s8 =	sld [smem:$0x3FB3]  }
0x2e: {  	s3 =	simm.s32 @!p0 $0x1082;
	s9 =	sld [smem:$0x3FB4]  }
0x2f: {  	lr =	sadd.s32 s0, s3;
	s0 =	sld [smem:$0x3FAB]  }
0x30: {  	s3 =	sld [smem:$0x3FAE]  }
0x31: {  	[smem:$0x3FB7] =	sst s10  }
0x32: {  	s10 =	sld [smem:$0x3FB5];
	_ =	sdelay $0x3  }
0x33: {  	p0 =	seq.s32 s10, $0x1;
	s10 =	sld [smem:$0x3FB7];
	_ =	sdelay $0x3  }
0x34: {  	[smem:$0x3FB7] =	sst s10  }
0x35: {  	s10 =	sld [smem:$0x3FB6];
	_ =	sdelay $0x3  }
0x36: {  	p1 =	seq.s32 s10, $0x1;
	s10 =	sld [smem:$0x3FB7];
	_ =	sdelay $0x3  }
0x37: {  	[smem:$0x3FB7] =	sst s10  }
0x38: {  	s10 =	sld [smem:$0x3FB8]  }
0x39: {  	_ = 	snop;
	(pc) =	sbr.ind lr, $3  }
0x3a: {  	_ = 	snop  }
0x3b: {  	_ = 	snop  }
0x3c: {  	p2 =	seq.s32 s10, $0x1;
	s10 =	sld [smem:$0x3FB7]  }
0x3d: {  	_ =	shalt  }
0x3e: {  	_ =	shalt  }
0x3f: {  	_ =	shalt  }
0x40: {  	_ =	shalt  }
0x41: {  	_ =	shalt  }
0x42: {  	_ =	shalt  }
0x43: {  	_ =	shalt  }
0x44: {  	_ =	shalt  }
0x45: {  	_ =	shalt  }
0x46: {  	_ =	shalt  }
0x47: {  	_ =	shalt  }
0x48: {  	_ =	shalt  }
0x49: {  	_ =	shalt  }
0x4a: {  	_ =	shalt  }
0x4b: {  	_ =	shalt  }
0x4c: {  	_ =	shalt  }
0x4d: {  	_ =	shalt  }
0x4e: {  	_ =	shalt  }
0x4f: {  	_ =	shalt  }
0x50: {  	_ =	shalt  }
0x51: {  	_ =	shalt  }
0x52: {  	_ =	shalt  }
0x53: {  	_ =	shalt  }
0x54: {  	_ =	shalt  }
0x55: {  	_ =	shalt  }
0x56: {  	_ =	shalt  }
0x57: {  	_ =	shalt  }
0x58: {  	_ =	shalt  }
0x59: {  	_ =	shalt  }
0x5a: {  	_ =	shalt  }
0x5b: {  	_ =	shalt  }
0x5c: {  	_ =	shalt  }
0x5d: {  	_ =	shalt  }
0x5e: {  	_ =	shalt  }
0x5f: {  	_ =	shalt  }
0x60: {  	_ =	shalt  }
0x61: {  	_ =	shalt  }
0x62: {  	_ =	shalt  }
0x63: {  	_ =	shalt  }
0x64: {  	_ =	shalt  }
0x65: {  	_ =	shalt  }
0x66: {  	_ =	shalt  }
0x67: {  	_ =	shalt  }
0x68: {  	_ =	shalt  }
0x69: {  	_ =	shalt  }
0x6a: {  	_ =	shalt  }
0x6b: {  	_ =	shalt  }
0x6c: {  	_ =	shalt  }
0x6d: {  	_ =	shalt  }
0x6e: {  	_ =	shalt  }
0x6f: {  	_ =	shalt  }
0x70: {  	_ =	shalt  }
0x71: {  	_ =	shalt  }
0x72: {  	_ =	shalt  }
0x73: {  	_ =	shalt  }
0x74: {  	_ =	shalt  }
0x75: {  	_ =	shalt  }
0x76: {  	_ =	shalt  }
0x77: {  	_ =	shalt  }
0x78: {  	_ =	shalt  }
0x79: {  	_ =	shalt  }
0x7a: {  	_ =	shalt  }
0x7b: {  	_ =	shalt  }
0x7c: {  	_ =	shalt  }
0x7d: {  	_ =	shalt  }
0x7e: {  	_ =	shalt  }
0x7f: {  	_ =	shalt  }
0x80: {  	_ =	shalt  }
0x81: {  	_ =	shalt  }
0x82: {  	_ =	shalt  }
0x83: {  	_ =	shalt  }
0x84: {  	_ =	shalt  }
0x85: {  	_ =	shalt  }
0x86: {  	_ =	shalt  }
0x87: {  	_ =	shalt  }
.Lfunc_end0:
.L_simem_size_0:
called_computation_lowered:
.L_overlay_start_0:
0x88: {  	s2 =	sld [smem:$0x3FD9]  }
0x89: {  	s3 =	sld [smem:$0x3FFE];
	_ =	sdelay $0x1  }
0x8a: {  	s1 =	srdreg.scid  }
0x8b: {  	s0 =	sand.u32 $0x1, s1  }
0x8c: {  	s14 =	sshll.u32 s0, $0xA;
	s2 =	sadd.s32 s3, s2  }
0x8d: {  	s2 =	sadd.s32 s2, s14  }
0x8e: {  	[smem:$0x3FC3] =	sst s2  }
0x8f: {  	_ = 	snop  }
0x90: {  	s2 =	sld [smem:$0x3FC9]  }
0x91: {  	s15 =	sld [smem:$0x3FD0]  }
0x92: {  	s4 =	sld [smem:$0x3FC8]  }
0x93: {  	s5 =	sld [smem:$0x3FC6]  }
0x94: {  	s7 =	simm.s32 $0xA;
	s8 =	simm.s32 $0x10;
	s6 =	sld [smem:$0x3FC5]  }
0x95: {  	[smem:s8], [sflag:s7] =	dma.local [hbm:s15], $0x1  }
0x96: {  	_ =	swait.eq [sflag:s7], $0x1  }
0x97: {  	s16 =	sld [smem:$0x10];
	[sflag:s7] =	ssyncset.done $0x0  }
0x98: {  	s17 =	sld [smem:$0x11];
	[sflag:s7] =	ssyncadd.s32 $0xFFFFFFFF  }
0x99: {  	s18 =	sld [smem:$0x12];
	(tm) =	ssettm $0x1  }
0x9a: {  	s9 =	sld [smem:$0x3FFB];
	_ =	sdelay $0x3  }
0x9b: {  	_ =	strace s9  }
0x9c: {  	s9 =	sld [smem:$0x3FFC];
	_ =	sdelay $0x3  }
0x9d: {  	_ =	strace s9  }
0x9e: {  	s9 =	sld [smem:$0x3FFD];
	_ =	sdelay $0x3  }
0x9f: {  	_ =	strace s9  }
0xa0: {  	_ =	strace $0x8FFFFFFF  }
0xa1: {  	s19 =	sld [smem:$0x3FDB];
	_ =	sdelay $0x1  }
0xa2: {  	s10 =	simm.s32 $_scs_section_size  }
0xa3: {  	s11 =	simm.s32 $_size__tile_overlayer_lowered;
	s12 =	simm.s32 $_tile_overlayer_lowered  }
0xa4: {  	s22 =	simm.s32 $0x1BFF;
	s21 =	sshll.u32 s12, $0x1;
	s9 =	sadd.s32 s10, s19  }
0xa5: {  	s13 =	simm.s32 $0x0;
	s20 =	sshll.u32 s11, $0x1;
	s11 =	sadd.s32 s21, s9  }
0xa6: {  	[timem:s13], [sflag:s22] =	dma.local [hbm:s11], s20  }
0xa7: {  	_ =	swait.ge [sflag:s22], s20  }
0xa8: {  	s10 =	ssub.s32 $0x0, s20;
	[sflag:s22] =	ssyncset.done $0x0  }
0xa9: {  	[sflag:s22] =	ssyncadd.s32 s10;
	_ =	sdelay $0x1  }
0xaa: {  	s23 =	simm.s32 $0x1B8B  }
0xab: {  	_ =	swait.ge [sflag:s23], $0x1  }
0xac: {  	[sflag:s23] =	ssyncset.done $0x0  }
0xad: {  	s25 =	simm.s32 $0x1B8E;
	s24 =	sld [smem:$0x3FFE];
	[sflag:s23] =	ssyncadd.s32 $0xFFFFFFFF  }
0xae: {  	s26 =	simm.s32 $execute0_lowered;
	[smem:$0x3FD2] =	sst s25  }
0xaf: {  	s11 =	sshll.u32 s26, $0x1;
	_ =	strace $0x80000046;
	[dreg:$0x1] =	wrdreg $0xFFFFFFFF  }
0xb0: {  	s28 =	simm.s32 $_size_execute0_lowered;
	s9 =	sadd.s32 s9, s11;
	[dreg:$0x0] =	wrdreg $0x0  }
0xb1: {  	s11 =	sshll.u32 s28, $0x1;
	[dreg:$0x2] =	wrdreg s9  }
0xb2: {  	[dreg:$0x3] =	wrdreg s11  }
0xb3: {  	[dreg:$0x4] =	wrdreg $0xC0  }
0xb4: {  	_ =	task [dreg:s13], $0x5FFFF  }
0xb5: {  	[dreg:$0x1] =	wrdreg $0xFFFFFFFF  }
0xb6: {  	[dreg:$0x0] =	wrdreg $0x60  }
0xb7: {  	[dreg:$0x2] =	wrdreg s2  }
0xb8: {  	[dreg:$0x3] =	wrdreg s4  }
0xb9: {  	[dreg:$0x4] =	wrdreg s24  }
0xba: {  	[dreg:$0x5] =	wrdreg s5  }
0xbb: {  	[dreg:$0x6] =	wrdreg s6  }
0xbc: {  	[dreg:$0x7] =	wrdreg s16  }
0xbd: {  	[dreg:$0x8] =	wrdreg s17  }
0xbe: {  	[dreg:$0x9] =	wrdreg s18  }
0xbf: {  	[dreg:$0xa] =	wrdreg $0x9  }
0xc0: {  	_ =	task.clear_ibuf [dreg:s13], $0xBFFFF;
	_ =	strace $0x90000046  }
0xc1: {  	s29 =	simm.s32 $0x9;
	_ =	strace $0x80000048  }
0xc2: {  	_ =	swait.ge [sflag:s29], $0x1  }
0xc3: {  	[sflag:s29] =	ssyncadd.s32 $0xFFFFFFFF  }
0xc4: {  	_ =	strace $0x90000048  }
0xc5: {  	_ =	sfence  }
0xc6: {  	s30 =	sld [smem:$0x0];
	_ =	sdelay $0x2  }
0xc7: {  	s31 =	sshll.u32 s1, $0xD;
	s1 =	sshrl.u32 s1, $0x2  }
0xc8: {  	s3 =	sand.u32 $0x4000, s31;
	s1 =	sadd.s32 s1, s30  }
0xc9: {  	s0 =	sor.u32 s3, s0;
	s1 =	sshll.u32 s1, $0x11  }
0xca: {  	s0 =	sor.u32 s1, s0  }
0xcb: {  	s0 =	sadd.s32 $0x8F2B, s0  }
0xcc: {  	[sflag:s0] =	ssyncadd.remote.s32 $0x1  }
0xcd: {  	_ =	sfence.sel $0xFFFF  }
0xce: {  	[dreg:$0x0] =	wrdreg $0xFFFFFFFF;
	(pc) =	sbr.abs _section_cstart, $3  }
0xcf: {  	[dreg:$0x1] =	wrdreg $0xFFFFFFFF  }
0xd0: {  	_ =	task.clear_ibuf [dreg:s13], $0x2FFFF;
	_ =	strace $0x9FFFFFFF  }
0xd1: {  	(tm) =	ssettm $0x7FFFFFFF  }
tec
execute0_lowered:
.L_overlay_start_1:
0x0: {  	(tag) =	ssettag $0x1  }
0x1: {  	s1 =	rddreg [dreg:$0x0]  }
0x2: {  	s0 =	rddreg [dreg:$0x2]  }
0x3: {  	s2 =	rddreg [dreg:$0x3]  }
0x4: {  	s3 =	rddreg [dreg:$0x5]  }
0x5: {  	s4 =	rddreg [dreg:$0x6]  }
0x6: {  	s5 =	rddreg [dreg:$0x7]  }
0x7: {  	s8 =	simm.s32 $0x0;
	[dreg:$0x9] =	wrdreg s2  }
0x8: {  	s20 =	simm.s32 $0x400;
	[smem:$0x7FF] =	sst s8  }
0x9: {  	s21 =	simm.s32 $0x480;
	_ =	strace $0x80000047;
	[dreg:$0xd] =	wrdreg s20  }
0xa: {  	s22 =	simm.s32 $0x500;
	[dreg:$0xe] =	wrdreg s21  }
0xb: {  	s23 =	simm.s32 $0x580;
	[dreg:$0xf] =	wrdreg s22  }
0xc: {  	s24 =	simm.s32 $0x600;
	[dreg:$0x10] =	wrdreg s23  }
0xd: {  	s25 =	simm.s32 $0x680;
	[dreg:$0x11] =	wrdreg s24  }
0xe: {  	s26 =	simm.s32 $0x700;
	[dreg:$0x12] =	wrdreg s25  }
0xf: {  	s8 =	simm.s32 $0x980;
	[dreg:$0x13] =	wrdreg s26  }
0x10: {  	s10 =	simm.s32 $0xA00;
	[dreg:$0x18] =	wrdreg s8  }
0x11: {  	s11 =	simm.s32 $0xA80;
	[dreg:$0x19] =	wrdreg s10  }
0x12: {  	s12 =	simm.s32 $0xB00;
	[dreg:$0x1a] =	wrdreg s11  }
0x13: {  	s13 =	simm.s32 $0xB80;
	[dreg:$0x1b] =	wrdreg s12  }
0x14: {  	s14 =	simm.s32 $0xC00;
	[dreg:$0x1c] =	wrdreg s13  }
0x15: {  	s15 =	simm.s32 $0xC80;
	[dreg:$0x1d] =	wrdreg s14  }
0x16: {  	s16 =	simm.s32 $0xD00;
	[dreg:$0x1e] =	wrdreg s15  }
0x17: {  	s17 =	simm.s32 $0xD80;
	[dreg:$0x1f] =	wrdreg s16  }
0x18: {  	s19 =	srdreg.scid;
	s18 =	simm.s32 $0xE00;
	[smem:$0x7D0] =	sst s17  }
0x19: {  	s2 =	sand.u32 $0x1, s19;
	s19 =	simm.s32 $0xE80;
	[smem:$0x7D1] =	sst s18  }
0x1a: {  	[smem:$0x7D2] =	sst s19;
	s20 =	simm.s32 $0xF00  }
0x1b: {  	s21 =	simm.s32 $0xF80;
	[smem:$0x7D3] =	sst s20  }
0x1c: {  	s22 =	simm.s32 $0x1000;
	[smem:$0x7D4] =	sst s21  }
0x1d: {  	s23 =	simm.s32 $0x1080;
	[smem:$0x7D5] =	sst s22  }
0x1e: {  	s24 =	simm.s32 $0x1100;
	[smem:$0x7D6] =	sst s23  }
0x1f: {  	s25 =	simm.s32 $0x1180;
	[smem:$0x7D7] =	sst s24  }
0x20: {  	s26 =	simm.s32 $0x1200;
	[smem:$0x7D8] =	sst s25  }
0x21: {  	s8 =	simm.s32 $0x1480;
	[smem:$0x7D9] =	sst s26  }
0x22: {  	s10 =	simm.s32 $0x1500;
	[smem:$0x7DE] =	sst s8  }
0x23: {  	s11 =	simm.s32 $0x1580;
	[smem:$0x7DF] =	sst s10  }
0x24: {  	s12 =	simm.s32 $0x1600;
	[smem:$0x7E0] =	sst s11  }
0x25: {  	s13 =	simm.s32 $0x1680;
	[smem:$0x7E1] =	sst s12  }
0x26: {  	s14 =	simm.s32 $0x1700;
	[smem:$0x7E2] =	sst s13  }
0x27: {  	s15 =	simm.s32 $0x1800;
	[smem:$0x7E3] =	sst s14  }
0x28: {  	s9 =	stileid.u32;
	s16 =	simm.s32 $0x1880;
	[smem:$0x7E4] =	sst s15  }
0x29: {  	s6 =	smul.u32 $0x6400, s9;
	s17 =	simm.s32 $0x1900;
	[smem:$0x7E5] =	sst s16  }
0x2a: {  	s18 =	simm.s32 $0x1980;
	s19 =	simm.s32 $0x1A00;
	[smem:$0x7E6] =	sst s17  }
0x2b: {  	s5 =	sadd.s32 s6, s5;
	s4 =	sadd.s32 s6, s4;
	[smem:$0x7E7] =	sst s18  }
0x2c: {  	s3 =	sadd.s32 s6, s3;
	s6 =	simm.s32 $0x880;
	[smem:$0x7E8] =	sst s19  }
0x2d: {  	s20 =	simm.s32 $0x1A80;
	[dreg:$0x16] =	wrdreg s6  }
0x2e: {  	s21 =	simm.s32 $0x1B00;
	[smem:$0x7E9] =	sst s20  }
0x2f: {  	s28 =	simm.s32 $0x2A00;
	s23 =	sadd.s32 $0x494600, s0;
	[smem:$0x7EA] =	sst s21  }
0x30: {  	s29 =	simm.s32 $0x2A80;
	s22 =	simm.s32 $0x1B80;
	[smem:$0x7EB] =	sst s23  }
0x31: {  	s30 =	simm.s32 $0x2B00;
	s24 =	simm.s32 $0x1C00;
	[smem:$0x7EC] =	sst s22  }
0x32: {  	s31 =	simm.s32 $0x28;
	s26 =	simm.s32 $0x1C80;
	[smem:$0x7ED] =	sst s24  }
0x33: {  	s7 =	smul.u32 $0x3200, s2;
	s10 =	simm.s32 $0x1D00;
	[smem:$0x7EE] =	sst s26  }
0x34: {  	s25 =	ssub.s32 $0x2, s2;
	s12 =	simm.s32 $0x1D80;
	[smem:$0x7EF] =	sst s10  }
0x35: {  	s11 =	sshll.u32 s9, $0x1;
	s13 =	simm.s32 $0x1E00;
	[smem:$0x7F0] =	sst s12  }
0x36: {  	s14 =	simm.s32 $0x1E80;
	s16 =	simm.s32 $0x1F00;
	[smem:$0x7F1] =	sst s13  }
0x37: {  	s18 =	simm.s32 $0x1F80;
	s19 =	simm.s32 $0x2000;
	[smem:$0x7F2] =	sst s14  }
0x38: {  	s9 =	sadd.s32 $0x880, s0;
	s8 =	simm.s32 $0x2;
	[smem:$0x7F3] =	sst s16  }
0x39: {  	s5 =	sadd.s32 s7, s5;
	s4 =	sadd.s32 s7, s4;
	[smem:$0x7F5] =	sst s18  }
0x3a: {  	s3 =	sadd.s32 s7, s3;
	s7 =	simm.s32 $0x900;
	[smem:$0x7F6] =	sst s19  }
0x3b: {  	s6 =	simm.s32 $0x1380;
	s2 =	sor.u32 s2, s11;
	[dreg:$0xa] =	wrdreg s5  }
0x3c: {  	s20 =	simm.s32 $0x2080;
	s22 =	simm.s32 $0x2100;
	[dreg:$0xb] =	wrdreg s4  }
0x3d: {  	s11 =	simm.s32 $0x3;
	s23 =	simm.s32 $0x2180;
	[dreg:$0xc] =	wrdreg s3  }
0x3e: {  	s24 =	simm.s32 $0x2200;
	s13 =	simm.s32 $0x380;
	[dreg:$0x17] =	wrdreg s7  }
0x3f: {  	s14 =	simm.s32 $0x1780;
	s26 =	simm.s32 $0x2300;
	[smem:$0x7DC] =	sst s6  }
0x40: {  	s10 =	simm.s32 $0x2400;
	s12 =	simm.s32 $0x2480;
	[smem:$0x7F8] =	sst s20  }
0x41: {  	s18 =	simm.s32 $0x2580;
	s19 =	simm.s32 $0x2600;
	[smem:$0x7F9] =	sst s22  }
0x42: {  	s4 =	simm.s32 $0x780;
	s5 =	simm.s32 $0x800;
	[smem:$0x7FA] =	sst s23  }
0x43: {  	s7 =	simm.s32 $0x1400;
	s6 =	sshrl.u32 s25, $0x1;
	[smem:$0x7FB] =	sst s24  }
0x44: {  	[smem:$0x7FD] =	sst s26;
	s20 =	simm.s32 $0x2680;
	s22 =	simm.s32 $0x2780  }
0x45: {  	s23 =	simm.s32 $0x2800;
	s24 =	simm.s32 $0x2880;
	[dreg:$0x14] =	wrdreg s4  }
0x46: {  	s26 =	simm.s32 $0x2980;
	s3 =	simm.s32 $0x0;
	[dreg:$0x15] =	wrdreg s5  }
0x47: {  	v0 =	vimm.s32 $0x3;
	s4 =	simm.s32 $0x1280;
	s5 =	simm.s32 $0x1300;
	[smem:$0x7DD] =	sst s7  }
0x48: {  	v1 =	vimm.s32 $0x7;
	v2 =	vimm.s32 $0x0;
	v3 =	vlaneseq.u32;
	s7 =	smul.u32 $0x320, s2;
	s15 =	ssub.s32 s25, s6;
	s25 =	simm.s32 $0x2280  }
0x49: {  	vm0 =	vmmov $0x1;
	v4 =	vimm.s32 $0x1;
	v5 =	vimm.s32 $0x2;
	s6 =	simm.s32 $0x2380;
	s2 =	simm.s32 $0x1;
	[smem:$0x7DA] =	sst s4  }
0x4a: {  	v6 =	vimm.s32 $0x4;
	v7 =	vimm.s32 $0x5;
	v8 =	vimm.s32 $0x6;
	[smem:$0x7DB] =	sst s5;
	s5 =	sadd.s32 $0x800, s0;
	s21 =	smax.u32 s15, $0x1  }
0x4b: {  	v9 =	vimm.s32 $0x8;
	v10 =	vimm.s32 $0x9;
	v11 =	vimm.s32 $0xA;
	[smem:$0x7FC] =	sst s25;
	s25 =	simm.s32 $0x2900;
	s17 =	sshrl.u32 s7, $0x3  }
0x4c: {  	v12 =	vimm.s32 $0xB;
	v13 =	vimm.s32 $0xC;
	v14 =	vimm.s32 $0xD;
	[smem:$0x7F7] =	sst s21;
	s21 =	simm.s32 $0x2700;
	s1 =	sadd.s32 s1, s17  }
0x4d: {  	v15 =	vimm.s32 $0xE;
	v16 =	vimm.s32 $0xF;
	v3 =	vmul.u32 $0x8, v3;
	s17 =	simm.s32 $0x2500;
	[smem:$0x7F4] =	sst s1;
	s1 =	simm.s32 $0x2B80  }
.LBB2_1:
0x4e: {  	s0 =	sld [smem:$0x7F4];
	_ =	sdelay $0x1  }
0x4f: {  	[smem:$0x7CF] =	sst s3;
	s15 =	simm.s32 $0x0  }
0x50: {  	[tilespmem:s15], [sflag:$0x3] =	stream.linear.gather [hbm4b:s0+s15], $0x320, $0x38;
	[tilespmem:$0x1C480] =	vst v63  }
0x51: {  	_ =	swait.ge [sflag:s11], $0x320  }
0x52: {  	[sflag:s11] =	ssyncset.done $0x0  }
0x53: {  	[sflag:s11] =	ssyncadd.s32 $0xFFFFFCE0  }
0x54: {  	s4 =	simm.s32 $0x3F80;
	s16 =	rddreg [dreg:$0x4]  }
0x55: {  	[tilespmem:s4], [sflag:$0x3] =	stream.linear.gather [hbm4b:s16+s15], $0x15800, $0x38;
	[tilespmem:$0x1C480] =	vst v63  }
0x56: {  	_ =	swait.ge [sflag:s11], $0x15800  }
0x57: {  	[sflag:s11] =	ssyncset.done $0x0  }
0x58: {  	s4 =	simm.s32 $0x0;
	s15 =	simm.s32 $0x0;
	[sflag:s11] =	ssyncadd.s32 $0xFFFEA800  }
.LBB2_2:
0x59: {  	v17 =	vld [tilespmem:s4+$0x0];
	_ =	sdelay $0x4  }
0x5a: {  	v18 =	vshrl.u32 v17, $0x3  }
0x5b: {  	v18 =	vmul.u32 $0x18, v18  }
0x5c: {  	v17 =	vand.u32 $0x7, v17  }
0x5d: {  	v17 =	vor.u32 v17, v18  }
0x5e: {  	v18 =	vperm.xlane v17, v2;
	_ =	sdelay $0x1  }
0x5f: {  	v19 =	vperm.xlane v17, v4;
	v18 =	vadd.s32 v3, v18;
	_ =	sdelay $0x1  }
0x60: {  	v20 =	vperm.xlane v17, v5;
	v19 =	vadd.s32 v3, v19;
	_ =	sdelay $0x1  }
0x61: {  	s0 =	simm.s32 $0x0;
	v21 =	vperm.xlane v17, v0;
	v20 =	vadd.s32 v3, v20  }
0x62: {  	[tilespmem:s13], [sflag:$0x1] =	stream.indirect_vreg.gather [hbm4b:s5+s0], $0x80, v18, vm0, $0xb8;
	[tilespmem:$0x1C480] =	vst v63  }
0x63: {  	s3 =	rddreg [dreg:$0xd];
	v26 =	vperm.xlane v17, v6;
	v18 =	vadd.s32 v3, v21  }
0x64: {  	[tilespmem:s3], [sflag:$0x1] =	stream.indirect_vreg.gather [hbm4b:s5+s0], $0x80, v19, vm0, $0xb8;
	[tilespmem:$0x1C480] =	vst v63  }
0x65: {  	s16 =	rddreg [dreg:$0xe];
	v27 =	vperm.xlane v17, v7;
	v19 =	vadd.s32 v3, v26  }
0x66: {  	[tilespmem:s16], [sflag:$0x1] =	stream.indirect_vreg.gather [hbm4b:s5+s0], $0x80, v20, vm0, $0xb8;
	[tilespmem:$0x1C480] =	vst v63  }
0x67: {  	v29 =	vperm.xlane v17, v8;
	v28 =	vadd.s32 v3, v27;
	s3 =	rddreg [dreg:$0xf]  }
0x68: {  	[tilespmem:s3], [sflag:$0x1] =	stream.indirect_vreg.gather [hbm4b:s5+s0], $0x80, v18, vm0, $0xb8;
	[tilespmem:$0x1C480] =	vst v63  }
0x69: {  	v30 =	vperm.xlane v17, v1;
	s16 =	rddreg [dreg:$0x10];
	v18 =	vadd.s32 v3, v29  }
0x6a: {  	[tilespmem:s16], [sflag:$0x1] =	stream.indirect_vreg.gather [hbm4b:s5+s0], $0x80, v19, vm0, $0xb8;
	[tilespmem:$0x1C480] =	vst v63  }
0x6b: {  	v31 =	vperm.xlane v17, v9;
	s3 =	rddreg [dreg:$0x11];
	v19 =	vadd.s32 v3, v30  }
0x6c: {  	[tilespmem:s3], [sflag:$0x1] =	stream.indirect_vreg.gather [hbm4b:s5+s0], $0x80, v28, vm0, $0xb8;
	[tilespmem:$0x1C480] =	vst v63  }
0x6d: {  	v33 =	vperm.xlane v17, v10;
	v32 =	vadd.s32 v3, v31;
	s16 =	rddreg [dreg:$0x12]  }
0x6e: {  	[tilespmem:s16], [sflag:$0x1] =	stream.indirect_vreg.gather [hbm4b:s5+s0], $0x80, v18, vm0, $0xb8;
	[tilespmem:$0x1C480] =	vst v63  }
0x6f: {  	v34 =	vperm.xlane v17, v11;
	s3 =	rddreg [dreg:$0x13];
	v18 =	vadd.s32 v3, v33  }
0x70: {  	[tilespmem:s3], [sflag:$0x1] =	stream.indirect_vreg.gather [hbm4b:s5+s0], $0x80, v19, vm0, $0xb8;
	[tilespmem:$0x1C480] =	vst v63  }
0x71: {  	v35 =	vperm.xlane v17, v12;
	s16 =	rddreg [dreg:$0x14];
	v19 =	vadd.s32 v3, v34  }
0x72: {  	[tilespmem:s16], [sflag:$0x1] =	stream.indirect_vreg.gather [hbm4b:s5+s0], $0x80, v32, vm0, $0xb8;
	[tilespmem:$0x1C480] =	vst v63  }
0x73: {  	v37 =	vperm.xlane v17, v13;
	v36 =	vadd.s32 v3, v35;
	s3 =	rddreg [dreg:$0x15]  }
0x74: {  	[tilespmem:s3], [sflag:$0x1] =	stream.indirect_vreg.gather [hbm4b:s5+s0], $0x80, v18, vm0, $0xb8;
	[tilespmem:$0x1C480] =	vst v63  }
0x75: {  	v38 =	vperm.xlane v17, v14;
	s16 =	rddreg [dreg:$0x16];
	v18 =	vadd.s32 v3, v37  }
0x76: {  	[tilespmem:s16], [sflag:$0x1] =	stream.indirect_vreg.gather [hbm4b:s5+s0], $0x80, v19, vm0, $0xb8;
	[tilespmem:$0x1C480] =	vst v63  }
0x77: {  	v39 =	vperm.xlane v17, v15;
	s3 =	rddreg [dreg:$0x17];
	v19 =	vadd.s32 v3, v38  }
0x78: {  	[tilespmem:s3], [sflag:$0x1] =	stream.indirect_vreg.gather [hbm4b:s5+s0], $0x80, v36, vm0, $0xb8;
	[tilespmem:$0x1C480] =	vst v63  }
0x79: {  	v17 =	vperm.xlane v17, v16;
	v40 =	vadd.s32 v3, v39;
	s16 =	rddreg [dreg:$0x18]  }
0x7a: {  	[tilespmem:s16], [sflag:$0x1] =	stream.indirect_vreg.gather [hbm4b:s5+s0], $0x80, v18, vm0, $0xb8;
	[tilespmem:$0x1C480] =	vst v63  }
0x7b: {  	v17 =	vadd.s32 v3, v17;
	s3 =	rddreg [dreg:$0x19]  }
0x7c: {  	[tilespmem:s3], [sflag:$0x1] =	stream.indirect_vreg.gather [hbm4b:s5+s0], $0x80, v19, vm0, $0xb8;
	[tilespmem:$0x1C480] =	vst v63  }
0x7d: {  	s16 =	rddreg [dreg:$0x1a]  }
0x7e: {  	[tilespmem:s16], [sflag:$0x1] =	stream.indirect_vreg.gather [hbm4b:s5+s0], $0x80, v40, vm0, $0xb8;
	[tilespmem:$0x1C480] =	vst v63  }
0x7f: {  	s3 =	rddreg [dreg:$0x1b]  }
0x80: {  	[tilespmem:s3], [sflag:$0x1] =	stream.indirect_vreg.gather [hbm4b:s5+s0], $0x80, v17, vm0, $0xb8;
	[tilespmem:$0x1C480] =	vst v63  }
0x81: {  	v17 =	vld [tilespmem:s4+$0x10];
	_ =	sdelay $0x4  }
0x82: {  	v18 =	vshrl.u32 v17, $0x3  }
0x83: {  	v18 =	vmul.u32 $0x18, v18  }
0x84: {  	v17 =	vand.u32 $0x7, v17  }
0x85: {  	v17 =	vor.u32 v17, v18  }
0x86: {  	v18 =	vperm.xlane v17, v2;
	_ =	sdelay $0x1  }
0x87: {  	v19 =	vperm.xlane v17, v4;
	v18 =	vadd.s32 v3, v18;
	_ =	sdelay $0x1  }
0x88: {  	v41 =	vperm.xlane v17, v5;
	v19 =	vadd.s32 v3, v19  }
0x89: {  	s16 =	rddreg [dreg:$0x1d]  }
0x8a: {  	s3 =	rddreg [dreg:$0x1c];
	v42 =	vperm.xlane v17, v0;
	v20 =	vadd.s32 v3, v41  }
0x8b: {  	[tilespmem:s3], [sflag:$0x1] =	stream.indirect_vreg.gather [hbm4b:s5+s0], $0x80, v18, vm0, $0xb8;
	[tilespmem:$0x1C480] =	vst v63  }
0x8c: {  	v43 =	vperm.xlane v17, v6;
	s3 =	rddreg [dreg:$0x1e];
	v18 =	vadd.s32 v3, v42  }
0x8d: {  	[tilespmem:s16], [sflag:$0x1] =	stream.indirect_vreg.gather [hbm4b:s5+s0], $0x80, v19, vm0, $0xb8;
	[tilespmem:$0x1C480] =	vst v63  }
0x8e: {  	v44 =	vperm.xlane v17, v7;
	s16 =	rddreg [dreg:$0x1f];
	v19 =	vadd.s32 v3, v43  }
0x8f: {  	[tilespmem:s3], [sflag:$0x1] =	stream.indirect_vreg.gather [hbm4b:s5+s0], $0x80, v20, vm0, $0xb8;
	[tilespmem:$0x1C480] =	vst v63  }
0x90: {  	v46 =	vperm.xlane v17, v8;
	v45 =	vadd.s32 v3, v44;
	s3 =	sld [smem:$0x7D0]  }
0x91: {  	[tilespmem:s16], [sflag:$0x1] =	stream.indirect_vreg.gather [hbm4b:s5+s0], $0x80, v18, vm0, $0xb8;
	[tilespmem:$0x1C480] =	vst v63  }
0x92: {  	v47 =	vperm.xlane v17, v1;
	s16 =	sld [smem:$0x7D1];
	v18 =	vadd.s32 v3, v46  }
0x93: {  	[tilespmem:s3], [sflag:$0x1] =	stream.indirect_vreg.gather [hbm4b:s5+s0], $0x80, v19, vm0, $0xb8;
	[tilespmem:$0x1C480] =	vst v63  }
0x94: {  	v48 =	vperm.xlane v17, v9;
	s3 =	sld [smem:$0x7D2];
	v19 =	vadd.s32 v3, v47  }
0x95: {  	[tilespmem:s16], [sflag:$0x1] =	stream.indirect_vreg.gather [hbm4b:s5+s0], $0x80, v45, vm0, $0xb8;
	[tilespmem:$0x1C480] =	vst v63  }
0x96: {  	v50 =	vperm.xlane v17, v10;
	v49 =	vadd.s32 v3, v48;
	s16 =	sld [smem:$0x7D3]  }
0x97: {  	[tilespmem:s3], [sflag:$0x1] =	stream.indirect_vreg.gather [hbm4b:s5+s0], $0x80, v18, vm0, $0xb8;
	[tilespmem:$0x1C480] =	vst v63  }
0x98: {  	v51 =	vperm.xlane v17, v11;
	s3 =	sld [smem:$0x7D4];
	v18 =	vadd.s32 v3, v50  }
0x99: {  	[tilespmem:s16], [sflag:$0x1] =	stream.indirect_vreg.gather [hbm4b:s5+s0], $0x80, v19, vm0, $0xb8;
	[tilespmem:$0x1C480] =	vst v63  }
0x9a: {  	v52 =	vperm.xlane v17, v12;
	s16 =	sld [smem:$0x7D5];
	v19 =	vadd.s32 v3, v51  }
0x9b: {  	[tilespmem:s3], [sflag:$0x1] =	stream.indirect_vreg.gather [hbm4b:s5+s0], $0x80, v49, vm0, $0xb8;
	[tilespmem:$0x1C480] =	vst v63  }
0x9c: {  	v54 =	vperm.xlane v17, v13;
	v53 =	vadd.s32 v3, v52;
	s3 =	sld [smem:$0x7D6]  }
0x9d: {  	[tilespmem:s16], [sflag:$0x1] =	stream.indirect_vreg.gather [hbm4b:s5+s0], $0x80, v18, vm0, $0xb8;
	[tilespmem:$0x1C480] =	vst v63  }
0x9e: {  	v55 =	vperm.xlane v17, v14;
	s16 =	sld [smem:$0x7D7];
	v18 =	vadd.s32 v3, v54  }
0x9f: {  	[tilespmem:s3], [sflag:$0x1] =	stream.indirect_vreg.gather [hbm4b:s5+s0], $0x80, v19, vm0, $0xb8;
	[tilespmem:$0x1C480] =	vst v63  }
0xa0: {  	v56 =	vperm.xlane v17, v15;
	s3 =	sld [smem:$0x7D8];
	v19 =	vadd.s32 v3, v55  }
0xa1: {  	[tilespmem:s16], [sflag:$0x1] =	stream.indirect_vreg.gather [hbm4b:s5+s0], $0x80, v53, vm0, $0xb8;
	[tilespmem:$0x1C480] =	vst v63  }
0xa2: {  	v17 =	vperm.xlane v17, v16;
	v57 =	vadd.s32 v3, v56;
	s16 =	sld [smem:$0x7D9]  }
0xa3: {  	[tilespmem:s3], [sflag:$0x1] =	stream.indirect_vreg.gather [hbm4b:s5+s0], $0x80, v18, vm0, $0xb8;
	[tilespmem:$0x1C480] =	vst v63  }
0xa4: {  	v17 =	vadd.s32 v3, v17;
	s3 =	sld [smem:$0x7DA]  }
0xa5: {  	[tilespmem:s16], [sflag:$0x1] =	stream.indirect_vreg.gather [hbm4b:s5+s0], $0x80, v19, vm0, $0xb8;
	[tilespmem:$0x1C480] =	vst v63  }
0xa6: {  	s16 =	sld [smem:$0x7DB]  }
0xa7: {  	[tilespmem:s3], [sflag:$0x1] =	stream.indirect_vreg.gather [hbm4b:s5+s0], $0x80, v57, vm0, $0xb8;
	[tilespmem:$0x1C480] =	vst v63  }
0xa8: {  	_ = 	snop  }
0xa9: {  	[tilespmem:s16], [sflag:$0x1] =	stream.indirect_vreg.gather [hbm4b:s5+s0], $0x80, v17, vm0, $0xb8;
	[tilespmem:$0x1C480] =	vst v63  }
0xaa: {  	v17 =	vld.msk [tilespmem:s4+$0x20], $0xff;
	_ =	sdelay $0x4  }
0xab: {  	v18 =	vshrl.u32 v17, $0x3  }
0xac: {  	v18 =	vmul.u32 $0x18, v18  }
0xad: {  	v17 =	vand.u32 $0x7, v17  }
0xae: {  	v17 =	vor.u32 v17, v18  }
0xaf: {  	v18 =	vperm.xlane v17, v2;
	_ =	sdelay $0x1  }
0xb0: {  	v19 =	vperm.xlane v17, v4;
	v18 =	vadd.s32 v3, v18;
	_ =	sdelay $0x1  }
0xb1: {  	s3 =	sld [smem:$0x7DC];
	v58 =	vperm.xlane v17, v5;
	v19 =	vadd.s32 v3, v19;
	_ =	sdelay $0x1  }
0xb2: {  	s16 =	sld [smem:$0x7DD];
	v59 =	vperm.xlane v17, v0;
	v20 =	vadd.s32 v3, v58  }
0xb3: {  	[tilespmem:s3], [sflag:$0x1] =	stream.indirect_vreg.gather [hbm4b:s5+s0], $0x80, v18, vm0, $0xb8;
	[tilespmem:$0x1C480] =	vst v63  }
0xb4: {  	v60 =	vperm.xlane v17, v6;
	s3 =	sld [smem:$0x7DE];
	v18 =	vadd.s32 v3, v59  }
0xb5: {  	[tilespmem:s16], [sflag:$0x1] =	stream.indirect_vreg.gather [hbm4b:s5+s0], $0x80, v19, vm0, $0xb8;
	[tilespmem:$0x1C480] =	vst v63  }
0xb6: {  	v61 =	vperm.xlane v17, v7;
	s16 =	sld [smem:$0x7DF];
	v19 =	vadd.s32 v3, v60  }
0xb7: {  	[tilespmem:s3], [sflag:$0x1] =	stream.indirect_vreg.gather [hbm4b:s5+s0], $0x80, v20, vm0, $0xb8;
	[tilespmem:$0x1C480] =	vst v63  }
0xb8: {  	v63 =	vperm.xlane v17, v8;
	v62 =	vadd.s32 v3, v61;
	s3 =	sld [smem:$0x7E0]  }
0xb9: {  	[tilespmem:s16], [sflag:$0x1] =	stream.indirect_vreg.gather [hbm4b:s5+s0], $0x80, v18, vm0, $0xb8;
	[tilespmem:$0x1C480] =	vst v63  }
0xba: {  	v17 =	vperm.xlane v17, v1;
	s16 =	sld [smem:$0x7E1];
	v18 =	vadd.s32 v3, v63  }
0xbb: {  	[tilespmem:s3], [sflag:$0x1] =	stream.indirect_vreg.gather [hbm4b:s5+s0], $0x80, v19, vm0, $0xb8;
	[tilespmem:$0x1C480] =	vst v63  }
0xbc: {  	v17 =	vadd.s32 v3, v17;
	s3 =	sld [smem:$0x7E2]  }
0xbd: {  	[tilespmem:s16], [sflag:$0x1] =	stream.indirect_vreg.gather [hbm4b:s5+s0], $0x80, v62, vm0, $0xb8;
	[tilespmem:$0x1C480] =	vst v63  }
0xbe: {  	s16 =	sld [smem:$0x7E3]  }
0xbf: {  	[tilespmem:s3], [sflag:$0x1] =	stream.indirect_vreg.gather [hbm4b:s5+s0], $0x80, v18, vm0, $0xb8;
	[tilespmem:$0x1C480] =	vst v63  }
0xc0: {  	_ = 	snop  }
0xc1: {  	[tilespmem:s16], [sflag:$0x1] =	stream.indirect_vreg.gather [hbm4b:s5+s0], $0x80, v17, vm0, $0xb8;
	[tilespmem:$0x1C480] =	vst v63  }
0xc2: {  	v17 =	vld [tilespmem:s4+$0x0];
	_ =	sdelay $0x4  }
0xc3: {  	v18 =	vshrl.u32 v17, $0x3  }
0xc4: {  	v18 =	vmul.u32 $0x18, v18  }
0xc5: {  	v17 =	vand.u32 $0x7, v17  }
0xc6: {  	v17 =	vor.u32 v17, v18  }
0xc7: {  	v18 =	vperm.xlane v17, v2;
	_ =	sdelay $0x1  }
0xc8: {  	v19 =	vperm.xlane v17, v4;
	v18 =	vadd.s32 v3, v18;
	_ =	sdelay $0x1  }
0xc9: {  	v24 =	vperm.xlane v17, v5;
	v19 =	vadd.s32 v3, v19;
	_ =	sdelay $0x1  }
0xca: {  	s3 =	sld [smem:$0x7E4];
	v25 =	vperm.xlane v17, v0;
	v20 =	vadd.s32 v3, v24  }
0xcb: {  	[tilespmem:s14], [sflag:$0x1] =	stream.indirect_vreg.gather [hbm4b:s9+s0], $0x80, v18, vm0, $0xb8;
	[tilespmem:$0x1C480] =	vst v63  }
0xcc: {  	s16 =	sld [smem:$0x7E5];
	v26 =	vperm.xlane v17, v6;
	v18 =	vadd.s32 v3, v25  }
0xcd: {  	[tilespmem:s3], [sflag:$0x1] =	stream.indirect_vreg.gather [hbm4b:s9+s0], $0x80, v19, vm0, $0xb8;
	[tilespmem:$0x1C480] =	vst v63  }
0xce: {  	v27 =	vperm.xlane v17, v7;
	s3 =	sld [smem:$0x7E6];
	v19 =	vadd.s32 v3, v26  }
0xcf: {  	[tilespmem:s16], [sflag:$0x1] =	stream.indirect_vreg.gather [hbm4b:s9+s0], $0x80, v20, vm0, $0xb8;
	[tilespmem:$0x1C480] =	vst v63  }
0xd0: {  	v29 =	vperm.xlane v17, v8;
	v28 =	vadd.s32 v3, v27;
	s16 =	sld [smem:$0x7E7]  }
0xd1: {  	[tilespmem:s3], [sflag:$0x1] =	stream.indirect_vreg.gather [hbm4b:s9+s0], $0x80, v18, vm0, $0xb8;
	[tilespmem:$0x1C480] =	vst v63  }
0xd2: {  	v30 =	vperm.xlane v17, v1;
	s3 =	sld [smem:$0x7E8];
	v18 =	vadd.s32 v3, v29  }
0xd3: {  	[tilespmem:s16], [sflag:$0x1] =	stream.indirect_vreg.gather [hbm4b:s9+s0], $0x80, v19, vm0, $0xb8;
	[tilespmem:$0x1C480] =	vst v63  }
0xd4: {  	v31 =	vperm.xlane v17, v9;
	s16 =	sld [smem:$0x7E9];
	v19 =	vadd.s32 v3, v30  }
0xd5: {  	[tilespmem:s3], [sflag:$0x1] =	stream.indirect_vreg.gather [hbm4b:s9+s0], $0x80, v28, vm0, $0xb8;
	[tilespmem:$0x1C480] =	vst v63  }
0xd6: {  	v33 =	vperm.xlane v17, v10;
	v32 =	vadd.s32 v3, v31;
	s3 =	sld [smem:$0x7EA]  }
0xd7: {  	[tilespmem:s16], [sflag:$0x1] =	stream.indirect_vreg.gather [hbm4b:s9+s0], $0x80, v18, vm0, $0xb8;
	[tilespmem:$0x1C480] =	vst v63  }
0xd8: {  	v34 =	vperm.xlane v17, v11;
	s16 =	sld [smem:$0x7EC];
	v18 =	vadd.s32 v3, v33  }
0xd9: {  	[tilespmem:s3], [sflag:$0x1] =	stream.indirect_vreg.gather [hbm4b:s9+s0], $0x80, v19, vm0, $0xb8;
	[tilespmem:$0x1C480] =	vst v63  }
0xda: {  	v35 =	vperm.xlane v17, v12;
	s3 =	sld [smem:$0x7ED];
	v19 =	vadd.s32 v3, v34  }
0xdb: {  	[tilespmem:s16], [sflag:$0x1] =	stream.indirect_vreg.gather [hbm4b:s9+s0], $0x80, v32, vm0, $0xb8;
	[tilespmem:$0x1C480] =	vst v63  }
0xdc: {  	v37 =	vperm.xlane v17, v13;
	v36 =	vadd.s32 v3, v35;
	s16 =	sld [smem:$0x7EE]  }
0xdd: {  	[tilespmem:s3], [sflag:$0x1] =	stream.indirect_vreg.gather [hbm4b:s9+s0], $0x80, v18, vm0, $0xb8;
	[tilespmem:$0x1C480] =	vst v63  }
0xde: {  	v38 =	vperm.xlane v17, v14;
	s3 =	sld [smem:$0x7EF];
	v18 =	vadd.s32 v3, v37  }
0xdf: {  	[tilespmem:s16], [sflag:$0x1] =	stream.indirect_vreg.gather [hbm4b:s9+s0], $0x80, v19, vm0, $0xb8;
	[tilespmem:$0x1C480] =	vst v63  }
0xe0: {  	v39 =	vperm.xlane v17, v15;
	s16 =	sld [smem:$0x7F0];
	v19 =	vadd.s32 v3, v38  }
0xe1: {  	[tilespmem:s3], [sflag:$0x1] =	stream.indirect_vreg.gather [hbm4b:s9+s0], $0x80, v36, vm0, $0xb8;
	[tilespmem:$0x1C480] =	vst v63  }
0xe2: {  	v17 =	vperm.xlane v17, v16;
	v40 =	vadd.s32 v3, v39;
	s3 =	sld [smem:$0x7F1]  }
0xe3: {  	[tilespmem:s16], [sflag:$0x1] =	stream.indirect_vreg.gather [hbm4b:s9+s0], $0x80, v18, vm0, $0xb8;
	[tilespmem:$0x1C480] =	vst v63  }
0xe4: {  	v17 =	vadd.s32 v3, v17;
	s16 =	sld [smem:$0x7F2]  }
0xe5: {  	[tilespmem:s3], [sflag:$0x1] =	stream.indirect_vreg.gather [hbm4b:s9+s0], $0x80, v19, vm0, $0xb8;
	[tilespmem:$0x1C480] =	vst v63  }
0xe6: {  	s3 =	sld [smem:$0x7F3]  }
0xe7: {  	[tilespmem:s16], [sflag:$0x1] =	stream.indirect_vreg.gather [hbm4b:s9+s0], $0x80, v40, vm0, $0xb8;
	[tilespmem:$0x1C480] =	vst v63  }
0xe8: {  	_ = 	snop  }
0xe9: {  	[tilespmem:s3], [sflag:$0x1] =	stream.indirect_vreg.gather [hbm4b:s9+s0], $0x80, v17, vm0, $0xb8;
	[tilespmem:$0x1C480] =	vst v63  }
0xea: {  	v17 =	vld [tilespmem:s4+$0x10];
	_ =	sdelay $0x4  }
0xeb: {  	v18 =	vshrl.u32 v17, $0x3  }
0xec: {  	v18 =	vmul.u32 $0x18, v18  }
0xed: {  	v17 =	vand.u32 $0x7, v17  }
0xee: {  	v17 =	vor.u32 v17, v18  }
0xef: {  	v18 =	vperm.xlane v17, v2;
	_ =	sdelay $0x1  }
0xf0: {  	v19 =	vperm.xlane v17, v4;
	v18 =	vadd.s32 v3, v18;
	_ =	sdelay $0x1  }
0xf1: {  	s3 =	sld [smem:$0x7F5];
	v41 =	vperm.xlane v17, v5;
	v19 =	vadd.s32 v3, v19;
	_ =	sdelay $0x1  }
0xf2: {  	s16 =	sld [smem:$0x7F6];
	v42 =	vperm.xlane v17, v0;
	v20 =	vadd.s32 v3, v41  }
0xf3: {  	[tilespmem:s3], [sflag:$0x1] =	stream.indirect_vreg.gather [hbm4b:s9+s0], $0x80, v18, vm0, $0xb8;
	[tilespmem:$0x1C480] =	vst v63  }
0xf4: {  	v43 =	vperm.xlane v17, v6;
	s3 =	sld [smem:$0x7F8];
	v18 =	vadd.s32 v3, v42  }
0xf5: {  	[tilespmem:s16], [sflag:$0x1] =	stream.indirect_vreg.gather [hbm4b:s9+s0], $0x80, v19, vm0, $0xb8;
	[tilespmem:$0x1C480] =	vst v63  }
0xf6: {  	v44 =	vperm.xlane v17, v7;
	s16 =	sld [smem:$0x7F9];
	v19 =	vadd.s32 v3, v43  }
0xf7: {  	[tilespmem:s3], [sflag:$0x1] =	stream.indirect_vreg.gather [hbm4b:s9+s0], $0x80, v20, vm0, $0xb8;
	[tilespmem:$0x1C480] =	vst v63  }
0xf8: {  	v46 =	vperm.xlane v17, v8;
	v45 =	vadd.s32 v3, v44;
	s3 =	sld [smem:$0x7FA]  }
0xf9: {  	[tilespmem:s16], [sflag:$0x1] =	stream.indirect_vreg.gather [hbm4b:s9+s0], $0x80, v18, vm0, $0xb8;
	[tilespmem:$0x1C480] =	vst v63  }
0xfa: {  	v47 =	vperm.xlane v17, v1;
	s16 =	sld [smem:$0x7FB];
	v18 =	vadd.s32 v3, v46  }
0xfb: {  	[tilespmem:s3], [sflag:$0x1] =	stream.indirect_vreg.gather [hbm4b:s9+s0], $0x80, v19, vm0, $0xb8;
	[tilespmem:$0x1C480] =	vst v63  }
0xfc: {  	v48 =	vperm.xlane v17, v9;
	s3 =	sld [smem:$0x7FC];
	v19 =	vadd.s32 v3, v47  }
0xfd: {  	[tilespmem:s16], [sflag:$0x1] =	stream.indirect_vreg.gather [hbm4b:s9+s0], $0x80, v45, vm0, $0xb8;
	[tilespmem:$0x1C480] =	vst v63  }
0xfe: {  	v50 =	vperm.xlane v17, v10;
	v49 =	vadd.s32 v3, v48;
	s16 =	sld [smem:$0x7FD]  }
0xff: {  	[tilespmem:s3], [sflag:$0x1] =	stream.indirect_vreg.gather [hbm4b:s9+s0], $0x80, v18, vm0, $0xb8;
	[tilespmem:$0x1C480] =	vst v63  }
0x100: {  	v51 =	vperm.xlane v17, v11;
	v18 =	vadd.s32 v3, v50  }
0x101: {  	[tilespmem:s16], [sflag:$0x1] =	stream.indirect_vreg.gather [hbm4b:s9+s0], $0x80, v19, vm0, $0xb8;
	[tilespmem:$0x1C480] =	vst v63  }
0x102: {  	v52 =	vperm.xlane v17, v12;
	v19 =	vadd.s32 v3, v51  }
0x103: {  	[tilespmem:s6], [sflag:$0x1] =	stream.indirect_vreg.gather [hbm4b:s9+s0], $0x80, v49, vm0, $0xb8;
	[tilespmem:$0x1C480] =	vst v63  }
0x104: {  	v54 =	vperm.xlane v17, v13;
	v53 =	vadd.s32 v3, v52  }
0x105: {  	[tilespmem:s10], [sflag:$0x1] =	stream.indirect_vreg.gather [hbm4b:s9+s0], $0x80, v18, vm0, $0xb8;
	[tilespmem:$0x1C480] =	vst v63  }
0x106: {  	v55 =	vperm.xlane v17, v14;
	v18 =	vadd.s32 v3, v54  }
0x107: {  	[tilespmem:s12], [sflag:$0x1] =	stream.indirect_vreg.gather [hbm4b:s9+s0], $0x80, v19, vm0, $0xb8;
	[tilespmem:$0x1C480] =	vst v63  }
0x108: {  	v56 =	vperm.xlane v17, v15;
	v19 =	vadd.s32 v3, v55  }
0x109: {  	[tilespmem:s17], [sflag:$0x1] =	stream.indirect_vreg.gather [hbm4b:s9+s0], $0x80, v53, vm0, $0xb8;
	[tilespmem:$0x1C480] =	vst v63  }
0x10a: {  	v17 =	vperm.xlane v17, v16;
	v57 =	vadd.s32 v3, v56  }
0x10b: {  	[tilespmem:s18], [sflag:$0x1] =	stream.indirect_vreg.gather [hbm4b:s9+s0], $0x80, v18, vm0, $0xb8;
	[tilespmem:$0x1C480] =	vst v63  }
0x10c: {  	v17 =	vadd.s32 v3, v17  }
0x10d: {  	[tilespmem:s19], [sflag:$0x1] =	stream.indirect_vreg.gather [hbm4b:s9+s0], $0x80, v19, vm0, $0xb8;
	[tilespmem:$0x1C480] =	vst v63  }
0x10e: {  	_ = 	snop  }
0x10f: {  	[tilespmem:s20], [sflag:$0x1] =	stream.indirect_vreg.gather [hbm4b:s9+s0], $0x80, v57, vm0, $0xb8;
	[tilespmem:$0x1C480] =	vst v63  }
0x110: {  	_ = 	snop  }
0x111: {  	[tilespmem:s21], [sflag:$0x1] =	stream.indirect_vreg.gather [hbm4b:s9+s0], $0x80, v17, vm0, $0xb8;
	[tilespmem:$0x1C480] =	vst v63  }
0x112: {  	v17 =	vld.msk [tilespmem:s4+$0x20], $0xff;
	_ =	sdelay $0x4  }
0x113: {  	v18 =	vshrl.u32 v17, $0x3  }
0x114: {  	v18 =	vmul.u32 $0x18, v18  }
0x115: {  	v17 =	vand.u32 $0x7, v17  }
0x116: {  	v17 =	vor.u32 v17, v18  }
0x117: {  	v18 =	vperm.xlane v17, v2;
	_ =	sdelay $0x1  }
0x118: {  	v19 =	vperm.xlane v17, v4;
	v18 =	vadd.s32 v3, v18;
	_ =	sdelay $0x1  }
0x119: {  	v58 =	vperm.xlane v17, v5;
	v19 =	vadd.s32 v3, v19;
	_ =	sdelay $0x1  }
0x11a: {  	v59 =	vperm.xlane v17, v0;
	v20 =	vadd.s32 v3, v58  }
0x11b: {  	[tilespmem:s22], [sflag:$0x1] =	stream.indirect_vreg.gather [hbm4b:s9+s0], $0x80, v18, vm0, $0xb8;
	[tilespmem:$0x1C480] =	vst v63  }
0x11c: {  	v60 =	vperm.xlane v17, v6;
	v18 =	vadd.s32 v3, v59  }
0x11d: {  	[tilespmem:s23], [sflag:$0x1] =	stream.indirect_vreg.gather [hbm4b:s9+s0], $0x80, v19, vm0, $0xb8;
	[tilespmem:$0x1C480] =	vst v63  }
0x11e: {  	v61 =	vperm.xlane v17, v7;
	v19 =	vadd.s32 v3, v60  }
0x11f: {  	[tilespmem:s24], [sflag:$0x1] =	stream.indirect_vreg.gather [hbm4b:s9+s0], $0x80, v20, vm0, $0xb8;
	[tilespmem:$0x1C480] =	vst v63  }
0x120: {  	v63 =	vperm.xlane v17, v8;
	v62 =	vadd.s32 v3, v61  }
0x121: {  	[tilespmem:s25], [sflag:$0x1] =	stream.indirect_vreg.gather [hbm4b:s9+s0], $0x80, v18, vm0, $0xb8;
	[tilespmem:$0x1C480] =	vst v63  }
0x122: {  	v17 =	vperm.xlane v17, v1;
	v18 =	vadd.s32 v3, v63  }
0x123: {  	[tilespmem:s26], [sflag:$0x1] =	stream.indirect_vreg.gather [hbm4b:s9+s0], $0x80, v19, vm0, $0xb8;
	[tilespmem:$0x1C480] =	vst v63  }
0x124: {  	v17 =	vadd.s32 v3, v17  }
0x125: {  	[tilespmem:s28], [sflag:$0x1] =	stream.indirect_vreg.gather [hbm4b:s9+s0], $0x80, v62, vm0, $0xb8;
	[tilespmem:$0x1C480] =	vst v63  }
0x126: {  	_ = 	snop  }
0x127: {  	[tilespmem:s29], [sflag:$0x1] =	stream.indirect_vreg.gather [hbm4b:s9+s0], $0x80, v18, vm0, $0xb8;
	[tilespmem:$0x1C480] =	vst v63  }
0x128: {  	_ = 	snop  }
0x129: {  	[tilespmem:s30], [sflag:$0x1] =	stream.indirect_vreg.gather [hbm4b:s9+s0], $0x80, v17, vm0, $0xb8;
	[tilespmem:$0x1C480] =	vst v63  }
0x12a: {  	s16 =	rddreg [dreg:$0x9]  }
0x12b: {  	[tilespmem:s1], [sflag:$0x1] =	stream.indirect.gather [hbm4b:s16+s31], $0x80, s4, s31, $0xb8;
	[tilespmem:$0x1C480] =	vst v63  }
0x12c: {  	_ =	swait.ge [sflag:s2], $0x1400  }
0x12d: {  	[sflag:s2] =	ssyncset.done $0x0  }
0x12e: {  	[sflag:s2] =	ssyncadd.s32 $0xFFFFEC00  }
0x12f: {  	_ =	swait.ge [sflag:s2], $0x1400  }
0x130: {  	[sflag:s2] =	ssyncset.done $0x0  }
0x131: {  	[sflag:s2] =	ssyncadd.s32 $0xFFFFEC00  }
0x132: {  	_ =	swait.ge [sflag:s2], $0x1400  }
0x133: {  	s16 =	rddreg [dreg:$0xc];
	[sflag:s2] =	ssyncset.done $0x0  }
0x134: {  	[sflag:s2] =	ssyncadd.s32 $0xFFFFEC00;
	s3 =	sadd.s32 s15, s16  }
0x135: {  	[hbm4b:s3+s0] =	stream.linear.scatter [tilespmem:s13], [sflag:$0x3], $0x1400, $0x38;
	[tilespmem:$0x1C480] =	vst v63  }
0x136: {  	_ =	swait.ge [sflag:s11], $0x1400  }
0x137: {  	s16 =	rddreg [dreg:$0xb];
	[sflag:s11] =	ssyncset.done $0x0  }
0x138: {  	[sflag:s11] =	ssyncadd.s32 $0xFFFFEC00;
	s3 =	sadd.s32 s15, s16  }
0x139: {  	[hbm4b:s3+s0] =	stream.linear.scatter [tilespmem:s14], [sflag:$0x3], $0x1400, $0x38;
	[tilespmem:$0x1C480] =	vst v63  }
0x13a: {  	_ =	swait.ge [sflag:s11], $0x1400  }
0x13b: {  	p0 =	sne.s32 s15, $0x2F80;
	s16 =	rddreg [dreg:$0xa];
	[sflag:s11] =	ssyncset.done $0x0  }
.Ltmp0:
0x13c: {  	[sflag:s11] =	ssyncadd.s32 $0xFFFFEC00;
	s3 =	sadd.s32 s15, s16;
	(pc) =	sbr.rel @p0 .LBB2_2-.Ltmp0, $4  }
0x13d: {  	[hbm4b:s3+s0] =	stream.linear.scatter [tilespmem:s1], [sflag:$0x3], $0x1400, $0x38;
	[tilespmem:$0x1C480] =	vst v63  }
0x13e: {  	_ =	swait.ge [sflag:s11], $0x1400  }
0x13f: {  	[sflag:s11] =	ssyncset.done $0x0  }
0x140: {  	s4 =	sadd.s32 $0x28, s4;
	s15 =	sadd.s32 $0x280, s15;
	[sflag:s11] =	ssyncadd.s32 $0xFFFFEC00  }
0x141: {  	s4 =	simm.s32 $0x0  }
.LBB2_4:
0x142: {  	s3 =	smul.u32 $0x50, s4;
	_ =	sdelay $0x1  }
0x143: {  	s15 =	sadd.s32 s7, s3  }
0x144: {  	s6 =	rddreg [dreg:$0x1];
	s3 =	sshll.u32 s15, $0x1  }
0x145: {  	s29 =	simm.s32 $0x19780;
	s3 =	sadd.s32 s6, s3  }
0x146: {  	[tilespmem:s29], [sflag:$0x2] =	stream.linear.gather [hbm4b:s3+s0], $0x500, $0x38;
	[tilespmem:$0x1C480] =	vst v63  }
0x147: {  	_ =	swait.ge [sflag:s8], $0x500  }
0x148: {  	[sflag:s8] =	ssyncset.done $0x0  }
0x149: {  	s30 =	simm.s32 $0x0;
	[sflag:s8] =	ssyncadd.s32 $0xFFFFFB00  }
0x14a: {  	v17 =	vld [tilespmem:s30+$0x19780];
	_ =	sdelay $0x4  }
0x14b: {  	v17 =	vshll.u32 v17, $0x8  }
0x14c: {  	v35 =	vshra.s32 v17, $0x2  }
0x14d: {  	(v2sf) =	vpush v35, $0x0;
	_ =	sdelay $0x3  }
0x14e: {  	(v2sf) =	vpush v35, $0x1;
	_ =	sdelay $0x3  }
0x14f: {  	(v2sf) =	vpush v35, $0x2;
	_ =	sdelay $0x3  }
0x150: {  	(v2sf) =	vpush v35, $0x3;
	_ =	sdelay $0x2  }
0x151: {  	s31 =	spop (v2sf)  }
0x152: {  	(v2sf) =	vpush v35, $0x4;
	v38 =	vld [tilespmem:s31+$0x3FB0]  }
0x153: {  	v50 =	vld [tilespmem:s31+$0x3FA0]  }
0x154: {  	v52 =	vld [tilespmem:s31+$0x3F80]  }
0x155: {  	s16 =	spop (v2sf);
	v51 =	vld [tilespmem:s31+$0x3F90]  }
0x156: {  	(v2sf) =	vpush v35, $0x5;
	v31 =	vld [tilespmem:s16+$0x3F90]  }
0x157: {  	v46 =	vld [tilespmem:s16+$0x3F80]  }
0x158: {  	v47 =	vld [tilespmem:s16+$0x3FA0]  }
0x159: {  	s17 =	spop (v2sf);
	v49 =	vld [tilespmem:s16+$0x3FB0]  }
0x15a: {  	(v2sf) =	vpush v35, $0x6;
	v30 =	vld [tilespmem:s17+$0x3F80]  }
0x15b: {  	v42 =	vld [tilespmem:s17+$0x3F90]  }
0x15c: {  	v44 =	vld [tilespmem:s17+$0x3FA0]  }
0x15d: {  	s18 =	spop (v2sf);
	v48 =	vld [tilespmem:s17+$0x3FB0]  }
0x15e: {  	(v2sf) =	vpush v35, $0x7;
	v26 =	vld [tilespmem:s18+$0x3F80]  }
0x15f: {  	v40 =	vld [tilespmem:s18+$0x3F90]  }
0x160: {  	(v2sf) =	vpush v35, $0x8;
	v43 =	vld [tilespmem:s18+$0x3FA0]  }
0x161: {  	(v2sf) =	vpush v35, $0x9;
	s19 =	spop (v2sf);
	v45 =	vld [tilespmem:s18+$0x3FB0]  }
0x162: {  	(v2sf) =	vpush v35, $0xA;
	v24 =	vld [tilespmem:s19+$0x3F90]  }
0x163: {  	(v2sf) =	vpush v35, $0xB;
	v36 =	vld [tilespmem:s19+$0x3F80]  }
0x164: {  	(v2sf) =	vpush v35, $0xC;
	v37 =	vld [tilespmem:s19+$0x3FA0]  }
0x165: {  	(v2sf) =	vpush v35, $0xD;
	s20 =	spop (v2sf);
	v41 =	vld [tilespmem:s19+$0x3FB0]  }
0x166: {  	(v2sf) =	vpush v35, $0xE;
	v22 =	vld [tilespmem:s20+$0x3F80]  }
0x167: {  	(v2sf) =	vpush v35, $0xF;
	v33 =	vld [tilespmem:s20+$0x3FA0]  }
0x168: {  	v34 =	vld [tilespmem:s20+$0x3F90]  }
0x169: {  	s21 =	spop (v2sf);
	v39 =	vld [tilespmem:s20+$0x3FB0]  }
0x16a: {  	v21 =	vld [tilespmem:s21+$0x3F80]  }
0x16b: {  	v32 =	vld [tilespmem:s21+$0x3FA0]  }
0x16c: {  	v28 =	vld [tilespmem:s21+$0x3F90]  }
0x16d: {  	s22 =	spop (v2sf);
	v35 =	vld [tilespmem:s21+$0x3FB0]  }
0x16e: {  	v20 =	vld [tilespmem:s22+$0x3F90]  }
0x16f: {  	s26 =	spop (v2sf);
	v23 =	vld [tilespmem:s22+$0x3F80]  }
0x170: {  	v25 =	vld [tilespmem:s22+$0x3FA0];
	s24 =	spop (v2sf)  }
0x171: {  	v29 =	vld [tilespmem:s22+$0x3FB0];
	s25 =	spop (v2sf)  }
0x172: {  	v18 =	vld [tilespmem:s26+$0x3F80];
	s23 =	spop (v2sf)  }
0x173: {  	v38 =	vadd.f32 $0.0e+00, v38;
	v19 =	vld [tilespmem:s26+$0x3F90];
	s22 =	spop (v2sf)  }
0x174: {  	v27 =	vld [tilespmem:s26+$0x3FB0];
	s21 =	spop (v2sf)  }
0x175: {  	s15 =	sshll.u32 s15, $0x4;
	s16 =	simm.s32 $0x19CA0;
	v49 =	vadd.f32 v49, v38;
	v38 =	vld [tilespmem:s26+$0x3FA0];
	s20 =	spop (v2sf)  }
0x176: {  	s17 =	simm.s32 $0x19CA0;
	s18 =	simm.s32 $0x40;
	v17 =	vld [tilespmem:s24+$0x3F80];
	s19 =	spop (v2sf)  }
.LBB2_5:
0x177: {  	p0 =	sne.s32 s18, $0x13C0  }
0x178: {  	v53 =	vld [tilespmem:s24+$0x3F90];
	s17 =	sadd.s32 $0x80, s17;
	s26 =	smov.u32 s18;
	s18 =	sadd.s32 $0x40, s18  }
0x179: {  	v54 =	vld [tilespmem:s24+$0x3FA0]  }
0x17a: {  	v50 =	vadd.f32 $0.0e+00, v50;
	v52 =	vadd.f32 $0.0e+00, v52;
	v55 =	vld [tilespmem:s25+$0x3F80]  }
0x17b: {  	v51 =	vadd.f32 $0.0e+00, v51;
	v56 =	vld [tilespmem:s24+$0x3FB0]  }
0x17c: {  	v47 =	vadd.f32 v47, v50;
	v46 =	vadd.f32 v46, v52;
	v50 =	vld [tilespmem:s23+$0x3FB0]  }
0x17d: {  	v31 =	vadd.f32 v31, v51;
	v51 =	vld [tilespmem:s25+$0x3FB0]  }
0x17e: {  	v44 =	vadd.f32 v44, v47;
	v47 =	vadd.f32 v48, v49;
	v48 =	vld [tilespmem:s25+$0x3F90]  }
0x17f: {  	v30 =	vadd.f32 v30, v46;
	v31 =	vadd.f32 v42, v31;
	v42 =	vld [tilespmem:s25+$0x3FA0]  }
0x180: {  	v43 =	vadd.f32 v43, v44;
	v44 =	vadd.f32 v45, v47;
	v45 =	vld [tilespmem:s23+$0x3F80]  }
0x181: {  	v26 =	vadd.f32 v26, v30;
	v30 =	vadd.f32 v40, v31;
	v31 =	vld [tilespmem:s23+$0x3FA0]  }
0x182: {  	v37 =	vadd.f32 v37, v43;
	v40 =	vadd.f32 v41, v44;
	v41 =	vld [tilespmem:s23+$0x3F90]  }
0x183: {  	v26 =	vadd.f32 v36, v26;
	v24 =	vadd.f32 v24, v30;
	v30 =	vld [tilespmem:s20+$0x3FB0]  }
0x184: {  	v33 =	vadd.f32 v33, v37;
	v36 =	vadd.f32 v39, v40;
	v37 =	vld [tilespmem:s21+$0x3F90]  }
0x185: {  	v22 =	vadd.f32 v22, v26;
	v24 =	vadd.f32 v34, v24;
	v26 =	vld [tilespmem:s21+$0x3FB0]  }
0x186: {  	v32 =	vadd.f32 v32, v33;
	v33 =	vadd.f32 v35, v36;
	v34 =	vld [tilespmem:s22+$0x3F90]  }
0x187: {  	v21 =	vadd.f32 v21, v22;
	v22 =	vadd.f32 v28, v24;
	v24 =	vld [tilespmem:s22+$0x3FB0]  }
0x188: {  	v25 =	vadd.f32 v25, v32;
	v28 =	vadd.f32 v29, v33;
	v29 =	vld [tilespmem:s22+$0x3F80]  }
0x189: {  	v21 =	vadd.f32 v23, v21;
	v20 =	vadd.f32 v20, v22;
	v22 =	vld [tilespmem:s22+$0x3FA0]  }
0x18a: {  	v23 =	vadd.f32 v38, v25;
	v25 =	vadd.f32 v27, v28;
	v27 =	vld [tilespmem:s21+$0x3F80]  }
0x18b: {  	v18 =	vadd.f32 v18, v21;
	v19 =	vadd.f32 v19, v20;
	v20 =	vld [tilespmem:s21+$0x3FA0]  }
0x18c: {  	v21 =	vadd.f32 v54, v23;
	v23 =	vadd.f32 v56, v25;
	v25 =	vld [tilespmem:s20+$0x3F80]  }
0x18d: {  	v17 =	vadd.f32 v17, v18;
	v18 =	vadd.f32 v53, v19;
	v19 =	vld [tilespmem:s20+$0x3FA0]  }
0x18e: {  	v21 =	vadd.f32 v42, v21;
	v23 =	vadd.f32 v51, v23;
	v28 =	vld [tilespmem:s20+$0x3F90]  }
0x18f: {  	v17 =	vadd.f32 v55, v17;
	v18 =	vadd.f32 v48, v18  }
0x190: {  	v21 =	vadd.f32 v31, v21;
	v23 =	vadd.f32 v50, v23  }
0x191: {  	v17 =	vadd.f32 v45, v17;
	v18 =	vadd.f32 v41, v18;
	v31 =	vld [tilespmem:s19+$0x3F90]  }
0x192: {  	v21 =	vadd.f32 v22, v21;
	v22 =	vadd.f32 v24, v23;
	v23 =	vld [tilespmem:s19+$0x3FB0]  }
0x193: {  	v17 =	vadd.f32 v29, v17;
	v18 =	vadd.f32 v34, v18;
	v24 =	vld [tilespmem:s19+$0x3FA0]  }
0x194: {  	v20 =	vadd.f32 v20, v21;
	v21 =	vadd.f32 v26, v22;
	v22 =	vld [tilespmem:s19+$0x3F80]  }
0x195: {  	v17 =	vadd.f32 v27, v17;
	v18 =	vadd.f32 v37, v18  }
0x196: {  	v19 =	vadd.f32 v19, v20;
	v20 =	vadd.f32 v30, v21  }
0x197: {  	v17 =	vadd.f32 v25, v17;
	v18 =	vadd.f32 v28, v18  }
0x198: {  	v20 =	vadd.f32 v23, v20;
	v19 =	vadd.f32 v24, v19  }
0x199: {  	v17 =	vadd.f32 v22, v17;
	v18 =	vadd.f32 v31, v18  }
0x19a: {  	[tilespmem:s16+$0x0] =	vst v19  }
0x19b: {  	[tilespmem:s16+$0x10] =	vst v20  }
0x19c: {  	[tilespmem:s16+$0xFFFFFFE0] =	vst v17  }
0x19d: {  	s3 =	sshra.s32 s26, $0x2;
	[tilespmem:s16+$0xFFFFFFF0] =	vst v18;
	s16 =	smov.u32 s17  }
0x19e: {  	v17 =	vld [tilespmem:s3+$0x19780];
	_ =	sdelay $0x4  }
0x19f: {  	v17 =	vshll.u32 v17, $0x8  }
0x1a0: {  	v17 =	vshra.s32 v17, $0x2  }
0x1a1: {  	(v2sf) =	vpush v17, $0x0  }
0x1a2: {  	(v2sf) =	vpush v17, $0x1  }
0x1a3: {  	(v2sf) =	vpush v17, $0x2  }
0x1a4: {  	(v2sf) =	vpush v17, $0x3  }
0x1a5: {  	(v2sf) =	vpush v17, $0x4  }
0x1a6: {  	(v2sf) =	vpush v17, $0x5  }
0x1a7: {  	(v2sf) =	vpush v17, $0x6  }
0x1a8: {  	(v2sf) =	vpush v17, $0x7  }
0x1a9: {  	(v2sf) =	vpush v17, $0x8  }
0x1aa: {  	(v2sf) =	vpush v17, $0x9  }
0x1ab: {  	(v2sf) =	vpush v17, $0xA  }
0x1ac: {  	(v2sf) =	vpush v17, $0xB  }
0x1ad: {  	(v2sf) =	vpush v17, $0xC  }
0x1ae: {  	(v2sf) =	vpush v17, $0xD  }
0x1af: {  	(v2sf) =	vpush v17, $0xE  }
0x1b0: {  	s26 =	spop (v2sf);
	(v2sf) =	vpush v17, $0xF  }
0x1b1: {  	v17 =	vld [tilespmem:s26+$0x3FB0];
	s29 =	spop (v2sf)  }
0x1b2: {  	v31 =	vld [tilespmem:s29+$0x3F90];
	s28 =	spop (v2sf)  }
0x1b3: {  	v30 =	vld [tilespmem:s28+$0x3F80];
	s30 =	spop (v2sf)  }
0x1b4: {  	v26 =	vld [tilespmem:s30+$0x3F80];
	s3 =	spop (v2sf)  }
0x1b5: {  	v24 =	vld [tilespmem:s3+$0x3F90];
	s12 =	spop (v2sf)  }
0x1b6: {  	v38 =	vadd.f32 $0.0e+00, v17;
	v22 =	vld [tilespmem:s12+$0x3F80];
	s10 =	spop (v2sf)  }
0x1b7: {  	v21 =	vld [tilespmem:s10+$0x3F80];
	s6 =	spop (v2sf)  }
0x1b8: {  	v20 =	vld [tilespmem:s6+$0x3F90];
	s31 =	spop (v2sf)  }
0x1b9: {  	v18 =	vld [tilespmem:s31+$0x3F80];
	s24 =	spop (v2sf)  }
0x1ba: {  	v19 =	vld [tilespmem:s31+$0x3F90];
	s25 =	spop (v2sf)  }
0x1bb: {  	v17 =	vld [tilespmem:s24+$0x3F80];
	s23 =	spop (v2sf)  }
0x1bc: {  	v23 =	vld [tilespmem:s6+$0x3F80];
	s22 =	spop (v2sf)  }
0x1bd: {  	v25 =	vld [tilespmem:s6+$0x3FA0];
	s21 =	spop (v2sf)  }
0x1be: {  	v32 =	vld [tilespmem:s10+$0x3FA0];
	s20 =	spop (v2sf)  }
0x1bf: {  	v28 =	vld [tilespmem:s10+$0x3F90];
	s19 =	spop (v2sf)  }
0x1c0: {  	v33 =	vld [tilespmem:s12+$0x3FA0]  }
0x1c1: {  	v29 =	vld [tilespmem:s6+$0x3FB0]  }
0x1c2: {  	v36 =	vld [tilespmem:s3+$0x3F80]  }
0x1c3: {  	v27 =	vld [tilespmem:s31+$0x3FB0]  }
0x1c4: {  	v34 =	vld [tilespmem:s12+$0x3F90]  }
0x1c5: {  	v37 =	vld [tilespmem:s3+$0x3FA0]  }
0x1c6: {  	v35 =	vld [tilespmem:s10+$0x3FB0]  }
0x1c7: {  	v40 =	vld [tilespmem:s30+$0x3F90]  }
0x1c8: {  	v42 =	vld [tilespmem:s28+$0x3F90]  }
0x1c9: {  	v44 =	vld [tilespmem:s28+$0x3FA0]  }
0x1ca: {  	v43 =	vld [tilespmem:s30+$0x3FA0]  }
0x1cb: {  	v46 =	vld [tilespmem:s29+$0x3F80]  }
0x1cc: {  	v47 =	vld [tilespmem:s29+$0x3FA0]  }
0x1cd: {  	v39 =	vld [tilespmem:s12+$0x3FB0]  }
0x1ce: {  	v41 =	vld [tilespmem:s3+$0x3FB0]  }
0x1cf: {  	v49 =	vld [tilespmem:s29+$0x3FB0]  }
0x1d0: {  	v45 =	vld [tilespmem:s30+$0x3FB0]  }
.Ltmp1:
0x1d1: {  	v48 =	vld [tilespmem:s28+$0x3FB0];
	(pc) =	sbr.rel @p0 .LBB2_5-.Ltmp1, $4  }
0x1d2: {  	v50 =	vld [tilespmem:s26+$0x3FA0]  }
0x1d3: {  	v52 =	vld [tilespmem:s26+$0x3F80]  }
0x1d4: {  	v51 =	vld [tilespmem:s26+$0x3F90];
	v49 =	vadd.f32 v49, v38  }
0x1d5: {  	v38 =	vld [tilespmem:s31+$0x3FA0]  }
0x1d6: {  	_ = 	snop  }
0x1d7: {  	v50 =	vadd.f32 $0.0e+00, v50  }
0x1d8: {  	v53 =	vld [tilespmem:s24+$0x3F90];
	v52 =	vadd.f32 $0.0e+00, v52  }
0x1d9: {  	v54 =	vld [tilespmem:s25+$0x3F80];
	v47 =	vadd.f32 v47, v50;
	v51 =	vadd.f32 $0.0e+00, v51  }
0x1da: {  	v55 =	vld [tilespmem:s24+$0x3FB0];
	v48 =	vadd.f32 v48, v49;
	v46 =	vadd.f32 v46, v52  }
0x1db: {  	v49 =	vld [tilespmem:s23+$0x3FB0];
	v44 =	vadd.f32 v44, v47;
	v31 =	vadd.f32 v31, v51  }
0x1dc: {  	v58 =	vld [tilespmem:s25+$0x3FA0];
	v56 =	vadd.f32 v45, v48;
	v30 =	vadd.f32 v30, v46  }
0x1dd: {  	v60 =	vld [tilespmem:s23+$0x3FA0];
	v43 =	vadd.f32 v43, v44;
	v31 =	vadd.f32 v42, v31  }
0x1de: {  	v62 =	vld [tilespmem:s23+$0x3F90];
	v59 =	vadd.f32 v41, v56;
	v26 =	vadd.f32 v26, v30  }
0x1df: {  	v45 =	vld [tilespmem:s25+$0x3F90];
	v57 =	vadd.f32 v37, v43;
	v31 =	vadd.f32 v40, v31  }
0x1e0: {  	v48 =	vld [tilespmem:s22+$0x3F80];
	v61 =	vadd.f32 v39, v59;
	v26 =	vadd.f32 v36, v26  }
0x1e1: {  	v50 =	vld [tilespmem:s24+$0x3FA0];
	v30 =	vadd.f32 v33, v57;
	v24 =	vadd.f32 v24, v31  }
0x1e2: {  	v41 =	vld [tilespmem:s23+$0x3F80];
	v31 =	vadd.f32 v35, v61;
	v22 =	vadd.f32 v22, v26  }
0x1e3: {  	v56 =	vld [tilespmem:s21+$0x3FA0];
	v63 =	vadd.f32 v32, v30;
	v24 =	vadd.f32 v34, v24  }
0x1e4: {  	v51 =	vld [tilespmem:s22+$0x3FA0];
	v40 =	vadd.f32 v29, v31;
	v21 =	vadd.f32 v21, v22  }
0x1e5: {  	v44 =	vld [tilespmem:s25+$0x3FB0];
	v35 =	vadd.f32 v25, v63;
	v24 =	vadd.f32 v28, v24  }
0x1e6: {  	v39 =	vld [tilespmem:s21+$0x3FB0];
	v46 =	vadd.f32 v27, v40;
	v21 =	vadd.f32 v23, v21  }
0x1e7: {  	v59 =	vld [tilespmem:s20+$0x3F90];
	v22 =	vadd.f32 v38, v35;
	v20 =	vadd.f32 v20, v24  }
0x1e8: {  	v42 =	vld [tilespmem:s22+$0x3F90];
	v52 =	vadd.f32 v55, v46;
	v18 =	vadd.f32 v18, v21  }
0x1e9: {  	v43 =	vld [tilespmem:s22+$0x3FB0];
	v50 =	vadd.f32 v50, v22;
	v19 =	vadd.f32 v19, v20  }
0x1ea: {  	v57 =	vld [tilespmem:s20+$0x3F80];
	v20 =	vadd.f32 v44, v52;
	v17 =	vadd.f32 v17, v18  }
0x1eb: {  	v30 =	vld [tilespmem:s20+$0x3FB0];
	v18 =	vadd.f32 v58, v50;
	v19 =	vadd.f32 v53, v19  }
0x1ec: {  	v32 =	vld [tilespmem:s21+$0x3F90];
	v20 =	vadd.f32 v49, v20;
	v17 =	vadd.f32 v54, v17  }
0x1ed: {  	v55 =	vld [tilespmem:s21+$0x3F80];
	v18 =	vadd.f32 v60, v18;
	v19 =	vadd.f32 v45, v19  }
0x1ee: {  	v58 =	vld [tilespmem:s20+$0x3FA0];
	v20 =	vadd.f32 v43, v20;
	v17 =	vadd.f32 v41, v17  }
0x1ef: {  	v61 =	vld [tilespmem:s19+$0x3FB0];
	v18 =	vadd.f32 v51, v18;
	v19 =	vadd.f32 v62, v19  }
0x1f0: {  	v60 =	vld [tilespmem:s19+$0x3FA0];
	v20 =	vadd.f32 v39, v20;
	v17 =	vadd.f32 v48, v17  }
0x1f1: {  	v62 =	vld [tilespmem:s19+$0x3F80];
	v18 =	vadd.f32 v56, v18;
	v19 =	vadd.f32 v42, v19  }
0x1f2: {  	v63 =	vld [tilespmem:s19+$0x3F90];
	v20 =	vadd.f32 v30, v20;
	v17 =	vadd.f32 v55, v17  }
0x1f3: {  	v18 =	vadd.f32 v58, v18;
	v19 =	vadd.f32 v32, v19  }
0x1f4: {  	v20 =	vadd.f32 v61, v20;
	v17 =	vadd.f32 v57, v17  }
0x1f5: {  	v18 =	vadd.f32 v60, v18;
	v19 =	vadd.f32 v59, v19  }
0x1f6: {  	s3 =	sld [smem:$0x7EB];
	[tilespmem:s16+$0x10] =	vst v20;
	v17 =	vadd.f32 v62, v17  }
0x1f7: {  	s4 =	sadd.s32 $0x1, s4;
	[tilespmem:s16+$0x0] =	vst v18;
	v18 =	vadd.f32 v63, v19  }
0x1f8: {  	s6 =	simm.s32 $0x0;
	p0 =	sne.s32 s4, $0xA;
	[tilespmem:s16+$0xFFFFFFE0] =	vst v17  }
.Ltmp2:
0x1f9: {  	s10 =	simm.s32 $0x19C80;
	s3 =	sadd.s32 s3, s15;
	[tilespmem:s16+$0xFFFFFFF0] =	vst v18;
	(pc) =	sbr.rel @p0 .LBB2_4-.Ltmp2, $4  }
0x1fa: {  	[hbm4b:s3+s6] =	stream.linear.scatter [tilespmem:s10], [sflag:$0x3], $0x2800, $0x38;
	[tilespmem:$0x1C480] =	vst v63  }
0x1fb: {  	_ =	swait.ge [sflag:s11], $0x2800  }
0x1fc: {  	[sflag:s11] =	ssyncset.done $0x0  }
0x1fd: {  	[sflag:s11] =	ssyncadd.s32 $0xFFFFD800  }
0x1fe: {  	s3 =	sld [smem:$0x7CF]  }
0x1ff: {  	s0 =	sld [smem:$0x7F7];
	_ =	sdelay $0x1  }
0x200: {  	s6 =	simm.s32 $0x2380;
	s3 =	sadd.s32 $0x1, s3  }
0x201: {  	s10 =	simm.s32 $0x2400;
	s12 =	simm.s32 $0x2480;
	p0 =	sne.s32 s3, s0  }
.Ltmp3:
0x202: {  	s17 =	simm.s32 $0x2500;
	s18 =	simm.s32 $0x2580;
	(pc) =	sbr.rel @p0 .LBB2_1-.Ltmp3, $4  }
0x203: {  	s19 =	simm.s32 $0x2600;
	s20 =	simm.s32 $0x2680;
	s21 =	simm.s32 $0x2700  }
0x204: {  	s22 =	simm.s32 $0x2780;
	s23 =	simm.s32 $0x2800;
	s24 =	simm.s32 $0x2880  }
0x205: {  	s25 =	simm.s32 $0x2900;
	s26 =	simm.s32 $0x2980;
	s28 =	simm.s32 $0x2A00  }
0x206: {  	s29 =	simm.s32 $0x2A80;
	s30 =	simm.s32 $0x2B00;
	s31 =	simm.s32 $0x28  }
0x207: {  	_ =	sfence.sel $0x180000  }
0x208: {  	[bflag:$0x0] =	sbarrier.arrive $0xFFFF  }
0x209: {  	_ =	strace $0x90000047  }
0x20a: {  	s0 =	stileid.u32;
	[bflag:$0x2] =	sbarrier.arrive $0xFFFF  }
0x20b: {  	p0 =	sne.s32 s0, $0x0;
	s0 =	rddreg [dreg:$0x8]  }
0x20c: {  	s0 =	sadd.s32 @!p0 $0x100000, s0  }
0x20d: {  	[sflag:s0] =	ssyncadd.tile.s32 @!p0 $0x1;
	_ =	shalt  }
.Lfunc_end2:
_tile_overlayer_lowered:
.L_overlay_start_2:
0x20e: {  	(tag) =	ssettag $0x2  }
0x20f: {  	s0 =	rddreg [dreg:$0x0];
	s2 =	stileid.u32  }
0x210: {  	s1 =	rddreg [dreg:$0x1];
	p0 =	sne.s32 s2, $0x0  }
0x211: {  	s3 =	rddreg [dreg:$0x2];
	[bflag:$0x3] =	sbarrier.arrive $0xFFFF;
	s2 =	simm.s32 @!p0 $0x1C03  }
0x212: {  	[timem:s3], [sflag:s2] =	dma.local @!p0 [hbm:s0], s1  }
0x213: {  	s0 =	simm.s32 @!p0 $0x3  }
0x214: {  	_ =	swait.ge @!p0 [sflag:s0], s1  }
0x215: {  	s1 =	ssub.s32 @!p0 $0x0, s1;
	[sflag:s0] =	ssyncset.done @!p0 $0x0  }
0x216: {  	[sflag:s0] =	ssyncadd.s32 @!p0 s1  }
0x217: {  	[bflag:$0x3] =	sbarrier.arrive $0xFFFF  }
0x218: {  	_ =	shalt  }

</sc_bundles>
